<compile_context>
chip_gen: v7x
topology: tpu7x:2x2x1
jax: 0.10.2.dev20260603
libtpu: 0.0.44.dev20260713+nightly
codegen_flags: <defaults>
</compile_context>

<pallas_src>
import functools

import jax
import jax.numpy as jnp
from jax import lax
from jax.experimental import pallas as pl
from jax.experimental.pallas import tpu as pltpu
from jax.experimental.pallas import tpu_sc as plsc

N = 10000
E = 320000
D = 128
B = 1024

NC = 2
NS = 16
NW = NC * NS
EPT = E // NW
G = 128
BSUB = B // NS
DSUB = 16
DUMMY = B
BPAD = 1040
ZR = BPAD // NS
CBUF = EPT + 2 * G

_mesh = plsc.VectorSubcoreMesh(core_axis_name="c", subcore_axis_name="s")


@functools.partial(
    pl.kernel,
    out_type=[
        jax.ShapeDtypeStruct((B, D), jnp.float32),
        jax.ShapeDtypeStruct((NC, B, D), jnp.float32),
        jax.ShapeDtypeStruct((NC, B, DSUB), jnp.float32),
    ],
    mesh=_mesh,
    compiler_params=pltpu.CompilerParams(needs_layout_passes=False),
    scratch_types=[
        pltpu.VMEM((N,), jnp.int32),
        pltpu.VMEM((EPT,), jnp.int32),
        pltpu.VMEM((EPT,), jnp.int32),
        pltpu.VMEM((CBUF,), jnp.int32),
        pltpu.VMEM((CBUF,), jnp.int32),
        pltpu.VMEM((1, G), jnp.int32),
        pltpu.VMEM((G, D), jnp.float32),
        pltpu.VMEM((G, DSUB), jnp.float32),
        pltpu.VMEM((B,), jnp.int32),
        pltpu.VMEM((BSUB,), jnp.int32),
        pltpu.VMEM((BSUB, D), jnp.float32),
        pltpu.VMEM((BSUB, DSUB), jnp.float32),
        pltpu.VMEM_SHARED((BPAD, D), jnp.float32),
        pltpu.VMEM_SHARED((BPAD, DSUB), jnp.float32),
        pltpu.SemaphoreType.DMA,
    ],
)
def _sc_aggregate(feat_hbm, src_hbm, dst_hbm, bm_hbm, zrows_hbm, zdeg_hbm,
                  center_hbm, neigh_hbm, deg_hbm,
                  slot_v, srcf_v, dstf_v, csrc_v, cslot_v, stage_v, rows_v,
                  ones_v, bm_v, rep_v, brows_v, drows_v,
                  agg_s, deg_s, sem):
    c = lax.axis_index("c")
    s = lax.axis_index("s")
    w = c * NS + s
    iota = lax.iota(jnp.int32, 16)

    pltpu.sync_copy(zrows_hbm, agg_s.at[pl.ds(s * ZR, ZR)])
    pltpu.sync_copy(zdeg_hbm, deg_s.at[pl.ds(s * ZR, ZR)])

    def _init_ones(i, carry):
        ones_v[i, :] = jnp.ones((16,), jnp.float32)
        return carry

    lax.fori_loop(0, G, _init_ones, 0)

    pltpu.sync_copy(bm_hbm, bm_v)
    neg1 = jnp.full((16,), -1, jnp.int32)

    def _init_slot(i, carry):
        slot_v[pl.ds(i * 16, 16)] = neg1
        return carry

    lax.fori_loop(0, N // 16, _init_slot, 0)

    def _scatter_bm(i, carry):
        v_node = bm_v[pl.ds(i * 16, 16)]
        plsc.store_scatter(slot_v, [v_node], i * 16 + iota)
        return carry

    lax.fori_loop(0, B // 16, _scatter_bm, 0)

    pltpu.sync_copy(src_hbm.at[pl.ds(w * EPT, EPT)], srcf_v)
    pltpu.sync_copy(dst_hbm.at[pl.ds(w * EPT, EPT)], dstf_v)

    def _filter(i, off):
        v_d = dstf_v[pl.ds(i * 16, 16)]
        v_s = srcf_v[pl.ds(i * 16, 16)]
        v_slot = plsc.load_gather(slot_v, [v_d])
        m = v_slot >= 0
        mi = m.astype(jnp.int32)
        v_pos = off + plsc.cumsum(mi) - 1
        plsc.store_scatter(csrc_v, [v_pos], v_s, mask=m)
        plsc.store_scatter(cslot_v, [v_pos], v_slot, mask=m)
        return off + jnp.sum(mi)

    off = lax.fori_loop(0, EPT // 16, _filter, jnp.int32(0))

    zero16 = jnp.zeros((16,), jnp.int32)
    dummy16 = jnp.full((16,), DUMMY, jnp.int32)
    for j in range(G // 16):
        v_pos = off + j * 16 + iota
        plsc.store_scatter(csrc_v, [v_pos], zero16)
        plsc.store_scatter(cslot_v, [v_pos], dummy16)
    ngroups = (off + (G - 1)) // G

    plsc.subcore_barrier()

    def _group(g, carry):
        for j in range(G // 16):
            stage_v[0, pl.ds(j * 16, 16)] = cslot_v[pl.ds(g * G + j * 16, 16)]
        pltpu.async_copy(
            feat_hbm.at[csrc_v.at[pl.ds(g * G, G)]], rows_v, sem).wait()
        pltpu.sync_copy(rows_v, agg_s.at[stage_v.at[0]], add=True)
        pltpu.sync_copy(ones_v, deg_s.at[stage_v.at[0]], add=True)
        return carry

    lax.fori_loop(0, ngroups, _group, 0)
    plsc.subcore_barrier()

    @pl.when(c == 0)
    def _center():
        pltpu.async_copy(
            feat_hbm.at[bm_v.at[pl.ds(s * BSUB, BSUB)]], brows_v, sem).wait()
        pltpu.sync_copy(brows_v, center_hbm.at[pl.ds(s * BSUB, BSUB)])

    for j in range(BSUB // 16):
        v_node = bm_v[pl.ds(s * BSUB + j * 16, 16)]
        rep_v[pl.ds(j * 16, 16)] = plsc.load_gather(slot_v, [v_node])

    pltpu.async_copy(agg_s.at[rep_v], brows_v, sem).wait()
    pltpu.sync_copy(brows_v, neigh_hbm.at[c].at[pl.ds(s * BSUB, BSUB)])
    pltpu.async_copy(deg_s.at[rep_v], drows_v, sem).wait()
    pltpu.sync_copy(drows_v, deg_hbm.at[c].at[pl.ds(s * BSUB, BSUB)])


def _tc_combine_body(center_ref, neighp_ref, degp_ref, wl_ref, wc_ref,
                     emb_ref, log_ref):
    center = center_ref[...]
    neigh = neighp_ref[0] + neighp_ref[1]
    deg = (jnp.sum(degp_ref[0], axis=1) + jnp.sum(degp_ref[1], axis=1)) * (1.0 / DSUB)
    neigh = neigh / jnp.clip(deg, 1.0, None)[:, None]
    wc = wc_ref[...]
    h = (jnp.dot(center, wc[:D], preferred_element_type=jnp.float32)
         + jnp.dot(neigh, wc[D:], preferred_element_type=jnp.float32))
    h = jnp.maximum(h, 0.0)
    norm = jnp.sqrt(jnp.sum(h * h, axis=1, keepdims=True))
    emb_ref[...] = h / (norm + 1e-12)
    log_ref[...] = jnp.dot(center, wl_ref[...], preferred_element_type=jnp.float32)


def _tc_combine(center, neighp, degp, wl, wc):
    return pl.pallas_call(
        _tc_combine_body,
        out_shape=[
            jax.ShapeDtypeStruct((B, D), jnp.float32),
            jax.ShapeDtypeStruct((B, 2), jnp.float32),
        ],
    )(center, neighp, degp, wl, wc)


def kernel(features, labels, batch_mask, train_pos_mask, adj_lists, W_label,
           W_combine):
    zrows = jnp.zeros((ZR, D), jnp.float32)
    zdeg = jnp.zeros((ZR, DSUB), jnp.float32)
    center, neighp, degp = _sc_aggregate(features, adj_lists[0], adj_lists[1],
                                         batch_mask, zrows, zdeg)
    embeds, logits = _tc_combine(center, neighp, degp, W_label, W_combine)
    return embeds, logits

# --- scband reference (transcript-rebuilt; emitter-appended) ---
"""Pipeline reference for scband-gnnstack-72129680769129 (READ-ONLY COPY).

The authoritative reference and input builder live on the scoring server;
editing this copy changes nothing except your own understanding.
"""

import jax, jax.numpy as jnp
import numpy as np

N_NODES = 10000
N_EDGES = 320000
D_FEAT = 128
D_OUT = 128
N_CLASSES = 2
B = 1024
P = 512


def setup_inputs(seed: int = 0) -> dict:
    key = jax.random.key(seed)
    k1, k2, k3, k4, k5, k6, k7 = jax.random.split(key, 7)
    features = jax.random.normal(k1, (N_NODES, D_FEAT), dtype=jnp.float32)
    labels = jax.random.randint(k2, (N_NODES,), 0, N_CLASSES, dtype=jnp.int32)
    batch_mask = jax.random.randint(k3, (B,), 0, N_NODES, dtype=jnp.int32)
    train_pos_mask = jax.random.randint(k4, (P,), 0, N_NODES, dtype=jnp.int32)
    adj_lists = jax.random.randint(k5, (2, N_EDGES), 0, N_NODES, dtype=jnp.int32)
    # Learned parameters of the (single) PCGNN InterAgg layer:
    #   W_label: label-aware scoring head (feature_dim -> num_classes)
    #   W_combine: combines self + aggregated neighbor feats (2*in -> out)
    W_label = jax.random.normal(k6, (D_FEAT, N_CLASSES), dtype=jnp.float32) * 0.05
    W_combine = jax.random.normal(k7, (2 * D_FEAT, D_OUT), dtype=jnp.float32) * 0.05
    return {
        "features": features,
        "labels": labels,
        "batch_mask": batch_mask,
        "train_pos_mask": train_pos_mask,
        "adj_lists": adj_lists,
        "W_label": W_label,
        "W_combine": W_combine,
    }


def reference(features, labels, batch_mask, train_pos_mask, adj_lists, W_label, W_combine):
    # PC-GNN single-layer InterAgg (num_layers == 1 in GNNStack):
    # 1) label-aware scores over all nodes via a linear classifier
    scores_all = features @ W_label  # (N, 2)
    # 2) mean-aggregate neighbor features along edges (gather + scatter-add)
    src = adj_lists[0]
    dst = adj_lists[1]
    msgs = jnp.take(features, src, axis=0)  # gather (E, d)
    agg_sum = jax.ops.segment_sum(msgs, dst, num_segments=N_NODES)  # scatter-add
    deg = jax.ops.segment_sum(jnp.ones((N_EDGES,), jnp.float32), dst, num_segments=N_NODES)
    agg_mean = agg_sum / jnp.clip(deg, 1.0, None)[:, None]
    # 3) gather batch center nodes, combine self + neighbor agg, ReLU
    center_feats = jnp.take(features, batch_mask, axis=0)  # (B, d)
    neigh_feats = jnp.take(agg_mean, batch_mask, axis=0)  # (B, d)
    combined = jnp.concatenate([center_feats, neigh_feats], axis=1)  # (B, 2d)
    embeds = jax.nn.relu(combined @ W_combine)  # (B, out)
    # normalize=True in PCGNN
    embeds = embeds / (jnp.linalg.norm(embeds, axis=1, keepdims=True) + 1e-12)
    # 4) label logits for the batch centers (the 'Choose' distance head)
    logits = jnp.take(scores_all, batch_mask, axis=0)  # (B, 2)
    return (embeds, logits)

if __name__ == "__main__":
    import jax
    _d = setup_inputs()
    print(jax.jit(kernel)(*tuple(_d.values())))

</pallas_src>

<mosaic_0001>
#map = affine_map<(d0, d1) -> (0, 0)>
#map1 = affine_map<(d0, d1) -> (0)>
#map2 = affine_map<(d0, d1) -> (0, 0, 0)>
module attributes {stable_mosaic.version = 14 : i64} {
  func.func @_sc_aggregate(%arg0: i32, %arg1: i32, %arg2: memref<10000x128xf32, #tpu.memory_space<hbm>>, %arg3: memref<320000xi32, #tpu.memory_space<hbm>>, %arg4: memref<320000xi32, #tpu.memory_space<hbm>>, %arg5: memref<1024xi32, #tpu.memory_space<hbm>>, %arg6: memref<65x128xf32, #tpu.memory_space<hbm>>, %arg7: memref<65x16xf32, #tpu.memory_space<hbm>>, %arg8: memref<1024x128xf32, #tpu.memory_space<hbm>>, %arg9: memref<2x1024x128xf32, #tpu.memory_space<hbm>>, %arg10: memref<2x1024x16xf32, #tpu.memory_space<hbm>>, %arg11: memref<10000xi32, #tpu.memory_space<vmem>>, %arg12: memref<10000xi32, #tpu.memory_space<vmem>>, %arg13: memref<10000xi32, #tpu.memory_space<vmem>>, %arg14: memref<10256xi32, #tpu.memory_space<vmem>>, %arg15: memref<10256xi32, #tpu.memory_space<vmem>>, %arg16: memref<1x128xi32, #tpu.memory_space<vmem>>, %arg17: memref<128x128xf32, #tpu.memory_space<vmem>>, %arg18: memref<128x16xf32, #tpu.memory_space<vmem>>, %arg19: memref<1024xi32, #tpu.memory_space<vmem>>, %arg20: memref<64xi32, #tpu.memory_space<vmem>>, %arg21: memref<64x128xf32, #tpu.memory_space<vmem>>, %arg22: memref<64x16xf32, #tpu.memory_space<vmem>>, %arg23: memref<1040x128xf32, #tpu.memory_space<vmem_shared>>, %arg24: memref<1040x16xf32, #tpu.memory_space<vmem_shared>>, %arg25: memref<!tpu.dma_semaphore, #tpu.memory_space<semaphore_mem>>) attributes {dimension_semantics = [#tpu.dimension_semantics<core_parallel>, #tpu.dimension_semantics<subcore_parallel>], iteration_bounds = array<i64: 2, 16>, scalar_prefetch = 0 : i64, scratch_operands = 15 : i64, tpu.core_type = #tpu.core_type<sc_vector_subcore>, window_params = [{transform_indices = #map}, {transform_indices = #map1}, {transform_indices = #map1}, {transform_indices = #map1}, {transform_indices = #map}, {transform_indices = #map}, {transform_indices = #map}, {transform_indices = #map2}, {transform_indices = #map2}]} {
    %mul3A = arith.constant 16 : i32
    %mul3A_0 = arith.muli %arg0, %mul3A : i32
    %add3A = arith.addi %mul3A_0, %arg1 : i32
    %iota3A = tpu.iota {dimensions = array<i32: 0>} : vector<16xi32>
    %mul3A_1 = arith.constant 65 : i32
    %mul3A_2 = arith.muli %arg1, %mul3A_1 : i32
    "tpu.region"() ({
      %run_scoped3A = tpu.sem_alloc : memref<!tpu.dma_semaphore, #tpu.memory_space<semaphore_mem>>
      %dma_start3A_147 = arith.constant 0 : i32
      %dma_start3A_148 = tpu.memref_slice %arg23[%mul3A_2, %dma_start3A_147] : memref<1040x128xf32, #tpu.memory_space<vmem_shared>> -> memref<65x128xf32, #tpu.memory_space<vmem_shared>>
      tpu.enqueue_dma source(%arg6 : memref<65x128xf32, #tpu.memory_space<hbm>>) target(%dma_start3A_148 : memref<65x128xf32, #tpu.memory_space<vmem_shared>>) target_semaphore(%run_scoped3A : memref<!tpu.dma_semaphore, #tpu.memory_space<semaphore_mem>>)
      %dma_wait3A_149 = arith.constant 0 : i32
      %dma_wait3A_150 = tpu.memref_slice %arg23[%mul3A_2, %dma_wait3A_149] : memref<1040x128xf32, #tpu.memory_space<vmem_shared>> -> memref<65x128xf32, #tpu.memory_space<vmem_shared>>
      tpu.wait_dma2 semaphore(%run_scoped3A : memref<!tpu.dma_semaphore, #tpu.memory_space<semaphore_mem>>) src(%arg6 : memref<65x128xf32, #tpu.memory_space<hbm>>) dst(%dma_wait3A_150 : memref<65x128xf32, #tpu.memory_space<vmem_shared>>)
      tpu.yield
    }) : () -> ()
    %mul3A_3 = arith.constant 65 : i32
    %mul3A_4 = arith.muli %arg1, %mul3A_3 : i32
    "tpu.region"() ({
      %run_scoped3A = tpu.sem_alloc : memref<!tpu.dma_semaphore, #tpu.memory_space<semaphore_mem>>
      %dma_start3A_147 = arith.constant 0 : i32
      %dma_start3A_148 = tpu.memref_slice %arg24[%mul3A_4, %dma_start3A_147] : memref<1040x16xf32, #tpu.memory_space<vmem_shared>> -> memref<65x16xf32, #tpu.memory_space<vmem_shared>>
      tpu.enqueue_dma source(%arg7 : memref<65x16xf32, #tpu.memory_space<hbm>>) target(%dma_start3A_148 : memref<65x16xf32, #tpu.memory_space<vmem_shared>>) target_semaphore(%run_scoped3A : memref<!tpu.dma_semaphore, #tpu.memory_space<semaphore_mem>>)
      %dma_wait3A_149 = arith.constant 0 : i32
      %dma_wait3A_150 = tpu.memref_slice %arg24[%mul3A_4, %dma_wait3A_149] : memref<1040x16xf32, #tpu.memory_space<vmem_shared>> -> memref<65x16xf32, #tpu.memory_space<vmem_shared>>
      tpu.wait_dma2 semaphore(%run_scoped3A : memref<!tpu.dma_semaphore, #tpu.memory_space<semaphore_mem>>) src(%arg7 : memref<65x16xf32, #tpu.memory_space<hbm>>) dst(%dma_wait3A_150 : memref<65x16xf32, #tpu.memory_space<vmem_shared>>)
      tpu.yield
    }) : () -> ()
    %scan3A = arith.constant 0 : i32
    %scan3A_5 = arith.constant 0 : i32
    %scan3A_6 = arith.constant 128 : i32
    %scan3A_7 = arith.addi %scan3A_5, %scan3A_6 : i32
    %scan3A_8 = arith.constant 1 : i32
    scf.for %scan3A_147 = %scan3A_5 to %scan3A_7 step %scan3A_8  : i32 {
      %broadcast_in_dim3A_148 = arith.constant 1.000000e+00 : f32
      %broadcast_in_dim3A_149 = vector.broadcast %broadcast_in_dim3A_148 : f32 to vector<16xf32>
      %swap3A_150 = arith.index_cast %scan3A_147 : i32 to index
      %swap3A_151 = arith.constant 0 : index
      %swap3A_152 = tpu.vector_load %arg18[%swap3A_150, %swap3A_151] {strides = array<i32>} : memref<128x16xf32, #tpu.memory_space<vmem>>, vector<16xf32>,
      tpu.vector_store %arg18[%swap3A_150, %swap3A_151], %broadcast_in_dim3A_149 {strides = array<i32>} : memref<128x16xf32, #tpu.memory_space<vmem>>, vector<16xf32>,
    }
    %scan3A_9 = arith.constant 128 : i32
    "tpu.region"() ({
      %run_scoped3A = tpu.sem_alloc : memref<!tpu.dma_semaphore, #tpu.memory_space<semaphore_mem>>
      tpu.enqueue_dma source(%arg5 : memref<1024xi32, #tpu.memory_space<hbm>>) target(%arg19 : memref<1024xi32, #tpu.memory_space<vmem>>) target_semaphore(%run_scoped3A : memref<!tpu.dma_semaphore, #tpu.memory_space<semaphore_mem>>)
      tpu.wait_dma2 semaphore(%run_scoped3A : memref<!tpu.dma_semaphore, #tpu.memory_space<semaphore_mem>>) src(%arg5 : memref<1024xi32, #tpu.memory_space<hbm>>) dst(%arg19 : memref<1024xi32, #tpu.memory_space<vmem>>)
      tpu.yield
    }) : () -> ()
    %broadcast_in_dim3A = arith.constant -1 : i32
    %broadcast_in_dim3A_10 = vector.broadcast %broadcast_in_dim3A : i32 to vector<16xi32>
    %scan3A_11 = arith.constant 0 : i32
    %scan3A_12 = arith.constant 0 : i32
    %scan3A_13 = arith.constant 625 : i32
    %scan3A_14 = arith.addi %scan3A_12, %scan3A_13 : i32
    %scan3A_15 = arith.constant 1 : i32
    scf.for %scan3A_147 = %scan3A_12 to %scan3A_14 step %scan3A_15  : i32 {
      %mul3A_148 = arith.constant 16 : i32
      %mul3A_149 = arith.muli %scan3A_147, %mul3A_148 : i32
      %swap3A_150 = arith.index_cast %mul3A_149 : i32 to index
      %swap3A_151 = tpu.vector_load %arg11[%swap3A_150] {strides = array<i32>} : memref<10000xi32, #tpu.memory_space<vmem>>, vector<16xi32>,
      tpu.vector_store %arg11[%swap3A_150], %broadcast_in_dim3A_10 {strides = array<i32>} : memref<10000xi32, #tpu.memory_space<vmem>>, vector<16xi32>,
    }
    %scan3A_16 = arith.constant 625 : i32
    %scan3A_17 = arith.constant 0 : i32
    %scan3A_18 = arith.constant 0 : i32
    %scan3A_19 = arith.constant 64 : i32
    %scan3A_20 = arith.addi %scan3A_18, %scan3A_19 : i32
    %scan3A_21 = arith.constant 1 : i32
    scf.for %scan3A_147 = %scan3A_18 to %scan3A_20 step %scan3A_21  : i32 {
      %mul3A_148 = arith.constant 16 : i32
      %mul3A_149 = arith.muli %scan3A_147, %mul3A_148 : i32
      %get3A_150 = arith.index_cast %mul3A_149 : i32 to index
      %get3A_151 = tpu.vector_load %arg19[%get3A_150] {strides = array<i32>} : memref<1024xi32, #tpu.memory_space<vmem>>, vector<16xi32>,
      %mul3A_152 = arith.constant 16 : i32
      %mul3A_153 = arith.muli %scan3A_147, %mul3A_152 : i32
      %add3A_154 = vector.broadcast %mul3A_153 : i32 to vector<16xi32>
      %add3A_155 = arith.addi %add3A_154, %iota3A : vector<16xi32>
      tpu.vector_store_idx %arg11[%get3A_151], %add3A_155 : memref<10000xi32, #tpu.memory_space<vmem>>[vector<16xi32>], vector<16xi32>,
    }
    %scan3A_22 = arith.constant 64 : i32
    %mul3A_23 = arith.constant 10000 : i32
    %mul3A_24 = arith.muli %add3A, %mul3A_23 : i32
    "tpu.region"() ({
      %run_scoped3A = tpu.sem_alloc : memref<!tpu.dma_semaphore, #tpu.memory_space<semaphore_mem>>
      %dma_start3A_147 = tpu.memref_slice %arg3[%mul3A_24] : memref<320000xi32, #tpu.memory_space<hbm>> -> memref<10000xi32, #tpu.memory_space<hbm>>
      %dma_start3A_148 = tpu.memref_slice %arg3[%mul3A_24] : memref<320000xi32, #tpu.memory_space<hbm>> -> memref<10000xi32, #tpu.memory_space<hbm>>
      tpu.enqueue_dma source(%dma_start3A_148 : memref<10000xi32, #tpu.memory_space<hbm>>) target(%arg12 : memref<10000xi32, #tpu.memory_space<vmem>>) target_semaphore(%run_scoped3A : memref<!tpu.dma_semaphore, #tpu.memory_space<semaphore_mem>>)
      %dma_wait3A_149 = tpu.memref_slice %arg3[%mul3A_24] : memref<320000xi32, #tpu.memory_space<hbm>> -> memref<10000xi32, #tpu.memory_space<hbm>>
      %dma_wait3A_150 = tpu.memref_slice %arg3[%mul3A_24] : memref<320000xi32, #tpu.memory_space<hbm>> -> memref<10000xi32, #tpu.memory_space<hbm>>
      tpu.wait_dma2 semaphore(%run_scoped3A : memref<!tpu.dma_semaphore, #tpu.memory_space<semaphore_mem>>) src(%dma_wait3A_150 : memref<10000xi32, #tpu.memory_space<hbm>>) dst(%arg12 : memref<10000xi32, #tpu.memory_space<vmem>>)
      tpu.yield
    }) : () -> ()
    %mul3A_25 = arith.constant 10000 : i32
    %mul3A_26 = arith.muli %add3A, %mul3A_25 : i32
    "tpu.region"() ({
      %run_scoped3A = tpu.sem_alloc : memref<!tpu.dma_semaphore, #tpu.memory_space<semaphore_mem>>
      %dma_start3A_147 = tpu.memref_slice %arg4[%mul3A_26] : memref<320000xi32, #tpu.memory_space<hbm>> -> memref<10000xi32, #tpu.memory_space<hbm>>
      %dma_start3A_148 = tpu.memref_slice %arg4[%mul3A_26] : memref<320000xi32, #tpu.memory_space<hbm>> -> memref<10000xi32, #tpu.memory_space<hbm>>
      tpu.enqueue_dma source(%dma_start3A_148 : memref<10000xi32, #tpu.memory_space<hbm>>) target(%arg13 : memref<10000xi32, #tpu.memory_space<vmem>>) target_semaphore(%run_scoped3A : memref<!tpu.dma_semaphore, #tpu.memory_space<semaphore_mem>>)
      %dma_wait3A_149 = tpu.memref_slice %arg4[%mul3A_26] : memref<320000xi32, #tpu.memory_space<hbm>> -> memref<10000xi32, #tpu.memory_space<hbm>>
      %dma_wait3A_150 = tpu.memref_slice %arg4[%mul3A_26] : memref<320000xi32, #tpu.memory_space<hbm>> -> memref<10000xi32, #tpu.memory_space<hbm>>
      tpu.wait_dma2 semaphore(%run_scoped3A : memref<!tpu.dma_semaphore, #tpu.memory_space<semaphore_mem>>) src(%dma_wait3A_150 : memref<10000xi32, #tpu.memory_space<hbm>>) dst(%arg13 : memref<10000xi32, #tpu.memory_space<vmem>>)
      tpu.yield
    }) : () -> ()
    %scan3A_27 = arith.constant 0 : i32
    %scan3A_28 = arith.constant 0 : i32
    %scan3A_29 = arith.constant 625 : i32
    %scan3A_30 = arith.addi %scan3A_28, %scan3A_29 : i32
    %scan3A_31 = arith.constant 1 : i32
    %scan3A_32 = scf.for %scan3A_147 = %scan3A_28 to %scan3A_30 step %scan3A_31 iter_args(%scan3A_148 = %scan3A_27) -> (i32)  : i32 {
      %mul3A_149 = arith.constant 16 : i32
      %mul3A_150 = arith.muli %scan3A_147, %mul3A_149 : i32
      %get3A_151 = arith.index_cast %mul3A_150 : i32 to index
      %get3A_152 = tpu.vector_load %arg13[%get3A_151] {strides = array<i32>} : memref<10000xi32, #tpu.memory_space<vmem>>, vector<16xi32>,
      %mul3A_153 = arith.constant 16 : i32
      %mul3A_154 = arith.muli %scan3A_147, %mul3A_153 : i32
      %get3A_155 = arith.index_cast %mul3A_154 : i32 to index
      %get3A_156 = tpu.vector_load %arg12[%get3A_155] {strides = array<i32>} : memref<10000xi32, #tpu.memory_space<vmem>>, vector<16xi32>,
      %gather3A_157 = tpu.vector_load_idx %arg11[%get3A_152] : memref<10000xi32, #tpu.memory_space<vmem>>[vector<16xi32>], vector<16xi32>,
      %ge3A = arith.constant 0 : i32
      %ge3A_158 = vector.broadcast %ge3A : i32 to vector<16xi32>
      %ge3A_159 = arith.cmpi sge, %gather3A_157, %ge3A_158 : vector<16xi32>
      %convert_element_type3A_160 = arith.extui %ge3A_159 : vector<16xi1> to vector<16xi32>
      %broadcast_in_dim3A_161 = arith.constant true
      %broadcast_in_dim3A_162 = vector.broadcast %broadcast_in_dim3A_161 : i1 to vector<16xi1>
      %masked_cumsum3A = tpu.scan <sum>, %convert_element_type3A_160 masked %broadcast_in_dim3A_162 : vector<16xi32>, vector<16xi1> -> vector<16xi32>
      %add3A_163 = vector.broadcast %scan3A_148 : i32 to vector<16xi32>
      %add3A_164 = arith.addi %add3A_163, %masked_cumsum3A : vector<16xi32>
      %sub3A_165 = arith.constant 1 : i32
      %sub3A_166 = vector.broadcast %sub3A_165 : i32 to vector<16xi32>
      %sub3A_167 = arith.subi %add3A_164, %sub3A_166 : vector<16xi32>
      tpu.vector_store_idx %arg14[%sub3A_167], %get3A_156 masked %ge3A_159 : memref<10256xi32, #tpu.memory_space<vmem>>[vector<16xi32>], vector<16xi32>, vector<16xi1>
      tpu.vector_store_idx %arg15[%sub3A_167], %gather3A_157 masked %ge3A_159 : memref<10256xi32, #tpu.memory_space<vmem>>[vector<16xi32>], vector<16xi32>, vector<16xi1>
      %reduce_sum3A = arith.constant true
      %reduce_sum3A_168 = vector.broadcast %reduce_sum3A : i1 to vector<16xi1>
      %reduce_sum3A_169 = tpu.scan <sum>, %convert_element_type3A_160 masked %reduce_sum3A_168 : vector<16xi32>, vector<16xi1> -> vector<16xi32>
      %reduce_sum3A_170 = vector.extract %reduce_sum3A_169[15] : i32 from vector<16xi32>
      %add3A_171 = arith.addi %scan3A_148, %reduce_sum3A_170 : i32
      scf.yield %add3A_171 : i32
    }
    %scan3A_33 = arith.constant 625 : i32
    %broadcast_in_dim3A_34 = arith.constant 0 : i32
    %broadcast_in_dim3A_35 = vector.broadcast %broadcast_in_dim3A_34 : i32 to vector<16xi32>
    %broadcast_in_dim3A_36 = arith.constant 1024 : i32
    %broadcast_in_dim3A_37 = vector.broadcast %broadcast_in_dim3A_36 : i32 to vector<16xi32>
    %add3A_38 = arith.constant 0 : i32
    %add3A_39 = arith.addi %scan3A_32, %add3A_38 : i32
    %add3A_40 = vector.broadcast %add3A_39 : i32 to vector<16xi32>
    %add3A_41 = arith.addi %add3A_40, %iota3A : vector<16xi32>
    tpu.vector_store_idx %arg14[%add3A_41], %broadcast_in_dim3A_35 : memref<10256xi32, #tpu.memory_space<vmem>>[vector<16xi32>], vector<16xi32>,
    tpu.vector_store_idx %arg15[%add3A_41], %broadcast_in_dim3A_37 : memref<10256xi32, #tpu.memory_space<vmem>>[vector<16xi32>], vector<16xi32>,
    %add3A_42 = arith.constant 16 : i32
    %add3A_43 = arith.addi %scan3A_32, %add3A_42 : i32
    %add3A_44 = vector.broadcast %add3A_43 : i32 to vector<16xi32>
    %add3A_45 = arith.addi %add3A_44, %iota3A : vector<16xi32>
    tpu.vector_store_idx %arg14[%add3A_45], %broadcast_in_dim3A_35 : memref<10256xi32, #tpu.memory_space<vmem>>[vector<16xi32>], vector<16xi32>,
    tpu.vector_store_idx %arg15[%add3A_45], %broadcast_in_dim3A_37 : memref<10256xi32, #tpu.memory_space<vmem>>[vector<16xi32>], vector<16xi32>,
    %add3A_46 = arith.constant 32 : i32
    %add3A_47 = arith.addi %scan3A_32, %add3A_46 : i32
    %add3A_48 = vector.broadcast %add3A_47 : i32 to vector<16xi32>
    %add3A_49 = arith.addi %add3A_48, %iota3A : vector<16xi32>
    tpu.vector_store_idx %arg14[%add3A_49], %broadcast_in_dim3A_35 : memref<10256xi32, #tpu.memory_space<vmem>>[vector<16xi32>], vector<16xi32>,
    tpu.vector_store_idx %arg15[%add3A_49], %broadcast_in_dim3A_37 : memref<10256xi32, #tpu.memory_space<vmem>>[vector<16xi32>], vector<16xi32>,
    %add3A_50 = arith.constant 48 : i32
    %add3A_51 = arith.addi %scan3A_32, %add3A_50 : i32
    %add3A_52 = vector.broadcast %add3A_51 : i32 to vector<16xi32>
    %add3A_53 = arith.addi %add3A_52, %iota3A : vector<16xi32>
    tpu.vector_store_idx %arg14[%add3A_53], %broadcast_in_dim3A_35 : memref<10256xi32, #tpu.memory_space<vmem>>[vector<16xi32>], vector<16xi32>,
    tpu.vector_store_idx %arg15[%add3A_53], %broadcast_in_dim3A_37 : memref<10256xi32, #tpu.memory_space<vmem>>[vector<16xi32>], vector<16xi32>,
    %add3A_54 = arith.constant 64 : i32
    %add3A_55 = arith.addi %scan3A_32, %add3A_54 : i32
    %add3A_56 = vector.broadcast %add3A_55 : i32 to vector<16xi32>
    %add3A_57 = arith.addi %add3A_56, %iota3A : vector<16xi32>
    tpu.vector_store_idx %arg14[%add3A_57], %broadcast_in_dim3A_35 : memref<10256xi32, #tpu.memory_space<vmem>>[vector<16xi32>], vector<16xi32>,
    tpu.vector_store_idx %arg15[%add3A_57], %broadcast_in_dim3A_37 : memref<10256xi32, #tpu.memory_space<vmem>>[vector<16xi32>], vector<16xi32>,
    %add3A_58 = arith.constant 80 : i32
    %add3A_59 = arith.addi %scan3A_32, %add3A_58 : i32
    %add3A_60 = vector.broadcast %add3A_59 : i32 to vector<16xi32>
    %add3A_61 = arith.addi %add3A_60, %iota3A : vector<16xi32>
    tpu.vector_store_idx %arg14[%add3A_61], %broadcast_in_dim3A_35 : memref<10256xi32, #tpu.memory_space<vmem>>[vector<16xi32>], vector<16xi32>,
    tpu.vector_store_idx %arg15[%add3A_61], %broadcast_in_dim3A_37 : memref<10256xi32, #tpu.memory_space<vmem>>[vector<16xi32>], vector<16xi32>,
    %add3A_62 = arith.constant 96 : i32
    %add3A_63 = arith.addi %scan3A_32, %add3A_62 : i32
    %add3A_64 = vector.broadcast %add3A_63 : i32 to vector<16xi32>
    %add3A_65 = arith.addi %add3A_64, %iota3A : vector<16xi32>
    tpu.vector_store_idx %arg14[%add3A_65], %broadcast_in_dim3A_35 : memref<10256xi32, #tpu.memory_space<vmem>>[vector<16xi32>], vector<16xi32>,
    tpu.vector_store_idx %arg15[%add3A_65], %broadcast_in_dim3A_37 : memref<10256xi32, #tpu.memory_space<vmem>>[vector<16xi32>], vector<16xi32>,
    %add3A_66 = arith.constant 112 : i32
    %add3A_67 = arith.addi %scan3A_32, %add3A_66 : i32
    %add3A_68 = vector.broadcast %add3A_67 : i32 to vector<16xi32>
    %add3A_69 = arith.addi %add3A_68, %iota3A : vector<16xi32>
    tpu.vector_store_idx %arg14[%add3A_69], %broadcast_in_dim3A_35 : memref<10256xi32, #tpu.memory_space<vmem>>[vector<16xi32>], vector<16xi32>,
    tpu.vector_store_idx %arg15[%add3A_69], %broadcast_in_dim3A_37 : memref<10256xi32, #tpu.memory_space<vmem>>[vector<16xi32>], vector<16xi32>,
    %add3A_70 = arith.constant 127 : i32
    %add3A_71 = arith.addi %scan3A_32, %add3A_70 : i32
    %jit3A = arith.constant 128 : i32
    %div3A = arith.divsi %add3A_71, %jit3A : i32
    %sign3A = arith.constant 0 : i32
    %sign3A_72 = arith.cmpi sgt, %add3A_71, %sign3A : i32
    %sign3A_73 = arith.extui %sign3A_72 : i1 to i32
    %sign3A_74 = arith.constant 0 : i32
    %sign3A_75 = arith.cmpi slt, %add3A_71, %sign3A_74 : i32
    %sign3A_76 = arith.extui %sign3A_75 : i1 to i32
    %sign3A_77 = arith.subi %sign3A_73, %sign3A_76 : i32
    %sign3A_78 = arith.constant 0 : i32
    %sign3A_79 = arith.cmpi sgt, %jit3A, %sign3A_78 : i32
    %sign3A_80 = arith.extui %sign3A_79 : i1 to i32
    %sign3A_81 = arith.constant 0 : i32
    %sign3A_82 = arith.cmpi slt, %jit3A, %sign3A_81 : i32
    %sign3A_83 = arith.extui %sign3A_82 : i1 to i32
    %sign3A_84 = arith.subi %sign3A_80, %sign3A_83 : i32
    %ne3A = arith.cmpi ne, %sign3A_77, %sign3A_84 : i32
    %rem3A = arith.remsi %add3A_71, %jit3A : i32
    %ne3A_85 = arith.constant 0 : i32
    %ne3A_86 = arith.cmpi ne, %rem3A, %ne3A_85 : i32
    %and3A = arith.andi %ne3A, %ne3A_86 : i1
    %sub3A = arith.constant 1 : i32
    %sub3A_87 = arith.subi %div3A, %sub3A : i32
    %select_n3A = arith.select %and3A, %sub3A_87, %div3A : i32
    %barrier3A = arith.constant 0 : index
    tpu.barrier barrier_id(%barrier3A)
    %while3A = arith.constant 0 : i32
    %while3A_88 = arith.constant 0 : i32
    %while3A_89 = arith.subi %select_n3A, %while3A_88 : i32
    %while3A_90 = arith.addi %while3A_88, %while3A_89 : i32
    %while3A_91 = arith.constant 1 : i32
    %while3A_92 = arith.divsi %while3A_89, %while3A_91 : i32
    %while3A_93 = arith.muli %while3A_92, %while3A_91 : i32
    %while3A_94 = arith.addi %while3A_88, %while3A_93 : i32
    %while3A_95 = arith.constant 1 : i32
    scf.for %while3A_147 = %while3A_88 to %while3A_94 step %while3A_95  : i32 {
      %mul3A_148 = arith.constant 128 : i32
      %mul3A_149 = arith.muli %while3A_147, %mul3A_148 : i32
      %add3A_150 = arith.constant 0 : i32
      %add3A_151 = arith.addi %mul3A_149, %add3A_150 : i32
      %get3A_152 = arith.index_cast %add3A_151 : i32 to index
      %get3A_153 = tpu.vector_load %arg15[%get3A_152] {strides = array<i32>} : memref<10256xi32, #tpu.memory_space<vmem>>, vector<16xi32>,
      %swap3A_154 = arith.constant 0 : i32
      %swap3A_155 = arith.index_cast %swap3A_154 : i32 to index
      %swap3A_156 = arith.constant 0 : index
      %swap3A_157 = tpu.vector_load %arg16[%swap3A_155, %swap3A_156] {strides = array<i32>} : memref<1x128xi32, #tpu.memory_space<vmem>>, vector<16xi32>,
      tpu.vector_store %arg16[%swap3A_155, %swap3A_156], %get3A_153 {strides = array<i32>} : memref<1x128xi32, #tpu.memory_space<vmem>>, vector<16xi32>,
      %mul3A_158 = arith.constant 128 : i32
      %mul3A_159 = arith.muli %while3A_147, %mul3A_158 : i32
      %add3A_160 = arith.constant 16 : i32
      %add3A_161 = arith.addi %mul3A_159, %add3A_160 : i32
      %get3A_162 = arith.index_cast %add3A_161 : i32 to index
      %get3A_163 = tpu.vector_load %arg15[%get3A_162] {strides = array<i32>} : memref<10256xi32, #tpu.memory_space<vmem>>, vector<16xi32>,
      %swap3A_164 = arith.constant 0 : i32
      %swap3A_165 = arith.index_cast %swap3A_164 : i32 to index
      %swap3A_166 = arith.constant 16 : index
      %swap3A_167 = tpu.vector_load %arg16[%swap3A_165, %swap3A_166] {strides = array<i32>} : memref<1x128xi32, #tpu.memory_space<vmem>>, vector<16xi32>,
      tpu.vector_store %arg16[%swap3A_165, %swap3A_166], %get3A_163 {strides = array<i32>} : memref<1x128xi32, #tpu.memory_space<vmem>>, vector<16xi32>,
      %mul3A_168 = arith.constant 128 : i32
      %mul3A_169 = arith.muli %while3A_147, %mul3A_168 : i32
      %add3A_170 = arith.constant 32 : i32
      %add3A_171 = arith.addi %mul3A_169, %add3A_170 : i32
      %get3A_172 = arith.index_cast %add3A_171 : i32 to index
      %get3A_173 = tpu.vector_load %arg15[%get3A_172] {strides = array<i32>} : memref<10256xi32, #tpu.memory_space<vmem>>, vector<16xi32>,
      %swap3A_174 = arith.constant 0 : i32
      %swap3A_175 = arith.index_cast %swap3A_174 : i32 to index
      %swap3A_176 = arith.constant 32 : index
      %swap3A_177 = tpu.vector_load %arg16[%swap3A_175, %swap3A_176] {strides = array<i32>} : memref<1x128xi32, #tpu.memory_space<vmem>>, vector<16xi32>,
      tpu.vector_store %arg16[%swap3A_175, %swap3A_176], %get3A_173 {strides = array<i32>} : memref<1x128xi32, #tpu.memory_space<vmem>>, vector<16xi32>,
      %mul3A_178 = arith.constant 128 : i32
      %mul3A_179 = arith.muli %while3A_147, %mul3A_178 : i32
      %add3A_180 = arith.constant 48 : i32
      %add3A_181 = arith.addi %mul3A_179, %add3A_180 : i32
      %get3A_182 = arith.index_cast %add3A_181 : i32 to index
      %get3A_183 = tpu.vector_load %arg15[%get3A_182] {strides = array<i32>} : memref<10256xi32, #tpu.memory_space<vmem>>, vector<16xi32>,
      %swap3A_184 = arith.constant 0 : i32
      %swap3A_185 = arith.index_cast %swap3A_184 : i32 to index
      %swap3A_186 = arith.constant 48 : index
      %swap3A_187 = tpu.vector_load %arg16[%swap3A_185, %swap3A_186] {strides = array<i32>} : memref<1x128xi32, #tpu.memory_space<vmem>>, vector<16xi32>,
      tpu.vector_store %arg16[%swap3A_185, %swap3A_186], %get3A_183 {strides = array<i32>} : memref<1x128xi32, #tpu.memory_space<vmem>>, vector<16xi32>,
      %mul3A_188 = arith.constant 128 : i32
      %mul3A_189 = arith.muli %while3A_147, %mul3A_188 : i32
      %add3A_190 = arith.constant 64 : i32
      %add3A_191 = arith.addi %mul3A_189, %add3A_190 : i32
      %get3A_192 = arith.index_cast %add3A_191 : i32 to index
      %get3A_193 = tpu.vector_load %arg15[%get3A_192] {strides = array<i32>} : memref<10256xi32, #tpu.memory_space<vmem>>, vector<16xi32>,
      %swap3A_194 = arith.constant 0 : i32
      %swap3A_195 = arith.index_cast %swap3A_194 : i32 to index
      %swap3A_196 = arith.constant 64 : index
      %swap3A_197 = tpu.vector_load %arg16[%swap3A_195, %swap3A_196] {strides = array<i32>} : memref<1x128xi32, #tpu.memory_space<vmem>>, vector<16xi32>,
      tpu.vector_store %arg16[%swap3A_195, %swap3A_196], %get3A_193 {strides = array<i32>} : memref<1x128xi32, #tpu.memory_space<vmem>>, vector<16xi32>,
      %mul3A_198 = arith.constant 128 : i32
      %mul3A_199 = arith.muli %while3A_147, %mul3A_198 : i32
      %add3A_200 = arith.constant 80 : i32
      %add3A_201 = arith.addi %mul3A_199, %add3A_200 : i32
      %get3A_202 = arith.index_cast %add3A_201 : i32 to index
      %get3A_203 = tpu.vector_load %arg15[%get3A_202] {strides = array<i32>} : memref<10256xi32, #tpu.memory_space<vmem>>, vector<16xi32>,
      %swap3A_204 = arith.constant 0 : i32
      %swap3A_205 = arith.index_cast %swap3A_204 : i32 to index
      %swap3A_206 = arith.constant 80 : index
      %swap3A_207 = tpu.vector_load %arg16[%swap3A_205, %swap3A_206] {strides = array<i32>} : memref<1x128xi32, #tpu.memory_space<vmem>>, vector<16xi32>,
      tpu.vector_store %arg16[%swap3A_205, %swap3A_206], %get3A_203 {strides = array<i32>} : memref<1x128xi32, #tpu.memory_space<vmem>>, vector<16xi32>,
      %mul3A_208 = arith.constant 128 : i32
      %mul3A_209 = arith.muli %while3A_147, %mul3A_208 : i32
      %add3A_210 = arith.constant 96 : i32
      %add3A_211 = arith.addi %mul3A_209, %add3A_210 : i32
      %get3A_212 = arith.index_cast %add3A_211 : i32 to index
      %get3A_213 = tpu.vector_load %arg15[%get3A_212] {strides = array<i32>} : memref<10256xi32, #tpu.memory_space<vmem>>, vector<16xi32>,
      %swap3A_214 = arith.constant 0 : i32
      %swap3A_215 = arith.index_cast %swap3A_214 : i32 to index
      %swap3A_216 = arith.constant 96 : index
      %swap3A_217 = tpu.vector_load %arg16[%swap3A_215, %swap3A_216] {strides = array<i32>} : memref<1x128xi32, #tpu.memory_space<vmem>>, vector<16xi32>,
      tpu.vector_store %arg16[%swap3A_215, %swap3A_216], %get3A_213 {strides = array<i32>} : memref<1x128xi32, #tpu.memory_space<vmem>>, vector<16xi32>,
      %mul3A_218 = arith.constant 128 : i32
      %mul3A_219 = arith.muli %while3A_147, %mul3A_218 : i32
      %add3A_220 = arith.constant 112 : i32
      %add3A_221 = arith.addi %mul3A_219, %add3A_220 : i32
      %get3A_222 = arith.index_cast %add3A_221 : i32 to index
      %get3A_223 = tpu.vector_load %arg15[%get3A_222] {strides = array<i32>} : memref<10256xi32, #tpu.memory_space<vmem>>, vector<16xi32>,
      %swap3A_224 = arith.constant 0 : i32
      %swap3A_225 = arith.index_cast %swap3A_224 : i32 to index
      %swap3A_226 = arith.constant 112 : index
      %swap3A_227 = tpu.vector_load %arg16[%swap3A_225, %swap3A_226] {strides = array<i32>} : memref<1x128xi32, #tpu.memory_space<vmem>>, vector<16xi32>,
      tpu.vector_store %arg16[%swap3A_225, %swap3A_226], %get3A_223 {strides = array<i32>} : memref<1x128xi32, #tpu.memory_space<vmem>>, vector<16xi32>,
      %mul3A_228 = arith.constant 128 : i32
      %mul3A_229 = arith.muli %while3A_147, %mul3A_228 : i32
      %dma_start3A_230 = tpu.memref_slice %arg14[%mul3A_229] : memref<10256xi32, #tpu.memory_space<vmem>> -> memref<128xi32, #tpu.memory_space<vmem>>
      %dma_start3A_231 = arith.constant 0 : i32
      %dma_start3A_232 = arith.constant 0 : i32
      %dma_start3A_233 = tpu.memref_slice %arg2[%dma_start3A_231, %dma_start3A_232] : memref<10000x128xf32, #tpu.memory_space<hbm>> -> memref<10000x128xf32, #tpu.memory_space<hbm>>
      tpu.enqueue_indirect_dma source(%dma_start3A_233 : memref<10000x128xf32, #tpu.memory_space<hbm>>) target(%arg17 : memref<128x128xf32, #tpu.memory_space<vmem>>) offsets(%dma_start3A_230 : memref<128xi32, #tpu.memory_space<vmem>>) semaphore(%arg25 : memref<!tpu.dma_semaphore, #tpu.memory_space<semaphore_mem>>)
      %dma_wait3A_234 = tpu.memref_slice %arg14[%mul3A_229] : memref<10256xi32, #tpu.memory_space<vmem>> -> memref<128xi32, #tpu.memory_space<vmem>>
      %dma_wait3A_235 = arith.constant 0 : i32
      %dma_wait3A_236 = arith.constant 0 : i32
      %dma_wait3A_237 = tpu.memref_slice %arg2[%dma_wait3A_235, %dma_wait3A_236] : memref<10000x128xf32, #tpu.memory_space<hbm>> -> memref<10000x128xf32, #tpu.memory_space<hbm>>
      tpu.wait_indirect_dma semaphore(%arg25 : memref<!tpu.dma_semaphore, #tpu.memory_space<semaphore_mem>>) src(%dma_wait3A_237 : memref<10000x128xf32, #tpu.memory_space<hbm>>) dst(%arg17 : memref<128x128xf32, #tpu.memory_space<vmem>>)
      %run_scoped3A = arith.constant 0 : i32
      "tpu.region"() ({
        %run_scoped3A_239 = tpu.sem_alloc : memref<!tpu.dma_semaphore, #tpu.memory_space<semaphore_mem>>
        %dma_start3A_240 = arith.constant 0 : i32
        %dma_start3A_241 = tpu.memref_slice %arg16[%run_scoped3A, %dma_start3A_240] : memref<1x128xi32, #tpu.memory_space<vmem>> -> memref<1x128xi32, #tpu.memory_space<vmem>>
        %dma_start3A_242 = tpu.memref_squeeze %dma_start3A_241 : memref<1x128xi32, #tpu.memory_space<vmem>> -> memref<128xi32, #tpu.memory_space<vmem>>
        %dma_start3A_243 = arith.constant 0 : i32
        %dma_start3A_244 = arith.constant 0 : i32
        %dma_start3A_245 = tpu.memref_slice %arg23[%dma_start3A_243, %dma_start3A_244] : memref<1040x128xf32, #tpu.memory_space<vmem_shared>> -> memref<1040x128xf32, #tpu.memory_space<vmem_shared>>
        tpu.enqueue_indirect_dma source(%arg17 : memref<128x128xf32, #tpu.memory_space<vmem>>) target(%dma_start3A_245 : memref<1040x128xf32, #tpu.memory_space<vmem_shared>>) offsets(%dma_start3A_242 : memref<128xi32, #tpu.memory_space<vmem>>) semaphore(%run_scoped3A_239 : memref<!tpu.dma_semaphore, #tpu.memory_space<semaphore_mem>>) {add = true}
        %dma_wait3A_246 = arith.constant 0 : i32
        %dma_wait3A_247 = tpu.memref_slice %arg16[%run_scoped3A, %dma_wait3A_246] : memref<1x128xi32, #tpu.memory_space<vmem>> -> memref<1x128xi32, #tpu.memory_space<vmem>>
        %dma_wait3A_248 = tpu.memref_squeeze %dma_wait3A_247 : memref<1x128xi32, #tpu.memory_space<vmem>> -> memref<128xi32, #tpu.memory_space<vmem>>
        %dma_wait3A_249 = arith.constant 0 : i32
        %dma_wait3A_250 = arith.constant 0 : i32
        %dma_wait3A_251 = tpu.memref_slice %arg23[%dma_wait3A_249, %dma_wait3A_250] : memref<1040x128xf32, #tpu.memory_space<vmem_shared>> -> memref<1040x128xf32, #tpu.memory_space<vmem_shared>>
        tpu.wait_indirect_dma semaphore(%run_scoped3A_239 : memref<!tpu.dma_semaphore, #tpu.memory_space<semaphore_mem>>) src(%arg17 : memref<128x128xf32, #tpu.memory_space<vmem>>) dst(%dma_wait3A_251 : memref<1040x128xf32, #tpu.memory_space<vmem_shared>>)
        tpu.yield
      }) : () -> ()
      %run_scoped3A_238 = arith.constant 0 : i32
      "tpu.region"() ({
        %run_scoped3A_239 = tpu.sem_alloc : memref<!tpu.dma_semaphore, #tpu.memory_space<semaphore_mem>>
        %dma_start3A_240 = arith.constant 0 : i32
        %dma_start3A_241 = tpu.memref_slice %arg16[%run_scoped3A_238, %dma_start3A_240] : memref<1x128xi32, #tpu.memory_space<vmem>> -> memref<1x128xi32, #tpu.memory_space<vmem>>
        %dma_start3A_242 = tpu.memref_squeeze %dma_start3A_241 : memref<1x128xi32, #tpu.memory_space<vmem>> -> memref<128xi32, #tpu.memory_space<vmem>>
        %dma_start3A_243 = arith.constant 0 : i32
        %dma_start3A_244 = arith.constant 0 : i32
        %dma_start3A_245 = tpu.memref_slice %arg24[%dma_start3A_243, %dma_start3A_244] : memref<1040x16xf32, #tpu.memory_space<vmem_shared>> -> memref<1040x16xf32, #tpu.memory_space<vmem_shared>>
        tpu.enqueue_indirect_dma source(%arg18 : memref<128x16xf32, #tpu.memory_space<vmem>>) target(%dma_start3A_245 : memref<1040x16xf32, #tpu.memory_space<vmem_shared>>) offsets(%dma_start3A_242 : memref<128xi32, #tpu.memory_space<vmem>>) semaphore(%run_scoped3A_239 : memref<!tpu.dma_semaphore, #tpu.memory_space<semaphore_mem>>) {add = true}
        %dma_wait3A_246 = arith.constant 0 : i32
        %dma_wait3A_247 = tpu.memref_slice %arg16[%run_scoped3A_238, %dma_wait3A_246] : memref<1x128xi32, #tpu.memory_space<vmem>> -> memref<1x128xi32, #tpu.memory_space<vmem>>
        %dma_wait3A_248 = tpu.memref_squeeze %dma_wait3A_247 : memref<1x128xi32, #tpu.memory_space<vmem>> -> memref<128xi32, #tpu.memory_space<vmem>>
        %dma_wait3A_249 = arith.constant 0 : i32
        %dma_wait3A_250 = arith.constant 0 : i32
        %dma_wait3A_251 = tpu.memref_slice %arg24[%dma_wait3A_249, %dma_wait3A_250] : memref<1040x16xf32, #tpu.memory_space<vmem_shared>> -> memref<1040x16xf32, #tpu.memory_space<vmem_shared>>
        tpu.wait_indirect_dma semaphore(%run_scoped3A_239 : memref<!tpu.dma_semaphore, #tpu.memory_space<semaphore_mem>>) src(%arg18 : memref<128x16xf32, #tpu.memory_space<vmem>>) dst(%dma_wait3A_251 : memref<1040x16xf32, #tpu.memory_space<vmem_shared>>)
        tpu.yield
      }) : () -> ()
    }
    %while3A_96 = arith.constant 1 : i32
    scf.for %while3A_147 = %while3A_94 to %while3A_90 step %while3A_96  : i32 {
      %mul3A_148 = arith.constant 128 : i32
      %mul3A_149 = arith.muli %while3A_147, %mul3A_148 : i32
      %add3A_150 = arith.constant 0 : i32
      %add3A_151 = arith.addi %mul3A_149, %add3A_150 : i32
      %get3A_152 = arith.index_cast %add3A_151 : i32 to index
      %get3A_153 = tpu.vector_load %arg15[%get3A_152] {strides = array<i32>} : memref<10256xi32, #tpu.memory_space<vmem>>, vector<16xi32>,
      %swap3A_154 = arith.constant 0 : i32
      %swap3A_155 = arith.index_cast %swap3A_154 : i32 to index
      %swap3A_156 = arith.constant 0 : index
      %swap3A_157 = tpu.vector_load %arg16[%swap3A_155, %swap3A_156] {strides = array<i32>} : memref<1x128xi32, #tpu.memory_space<vmem>>, vector<16xi32>,
      tpu.vector_store %arg16[%swap3A_155, %swap3A_156], %get3A_153 {strides = array<i32>} : memref<1x128xi32, #tpu.memory_space<vmem>>, vector<16xi32>,
      %mul3A_158 = arith.constant 128 : i32
      %mul3A_159 = arith.muli %while3A_147, %mul3A_158 : i32
      %add3A_160 = arith.constant 16 : i32
      %add3A_161 = arith.addi %mul3A_159, %add3A_160 : i32
      %get3A_162 = arith.index_cast %add3A_161 : i32 to index
      %get3A_163 = tpu.vector_load %arg15[%get3A_162] {strides = array<i32>} : memref<10256xi32, #tpu.memory_space<vmem>>, vector<16xi32>,
      %swap3A_164 = arith.constant 0 : i32
      %swap3A_165 = arith.index_cast %swap3A_164 : i32 to index
      %swap3A_166 = arith.constant 16 : index
      %swap3A_167 = tpu.vector_load %arg16[%swap3A_165, %swap3A_166] {strides = array<i32>} : memref<1x128xi32, #tpu.memory_space<vmem>>, vector<16xi32>,
      tpu.vector_store %arg16[%swap3A_165, %swap3A_166], %get3A_163 {strides = array<i32>} : memref<1x128xi32, #tpu.memory_space<vmem>>, vector<16xi32>,
      %mul3A_168 = arith.constant 128 : i32
      %mul3A_169 = arith.muli %while3A_147, %mul3A_168 : i32
      %add3A_170 = arith.constant 32 : i32
      %add3A_171 = arith.addi %mul3A_169, %add3A_170 : i32
      %get3A_172 = arith.index_cast %add3A_171 : i32 to index
      %get3A_173 = tpu.vector_load %arg15[%get3A_172] {strides = array<i32>} : memref<10256xi32, #tpu.memory_space<vmem>>, vector<16xi32>,
      %swap3A_174 = arith.constant 0 : i32
      %swap3A_175 = arith.index_cast %swap3A_174 : i32 to index
      %swap3A_176 = arith.constant 32 : index
      %swap3A_177 = tpu.vector_load %arg16[%swap3A_175, %swap3A_176] {strides = array<i32>} : memref<1x128xi32, #tpu.memory_space<vmem>>, vector<16xi32>,
      tpu.vector_store %arg16[%swap3A_175, %swap3A_176], %get3A_173 {strides = array<i32>} : memref<1x128xi32, #tpu.memory_space<vmem>>, vector<16xi32>,
      %mul3A_178 = arith.constant 128 : i32
      %mul3A_179 = arith.muli %while3A_147, %mul3A_178 : i32
      %add3A_180 = arith.constant 48 : i32
      %add3A_181 = arith.addi %mul3A_179, %add3A_180 : i32
      %get3A_182 = arith.index_cast %add3A_181 : i32 to index
      %get3A_183 = tpu.vector_load %arg15[%get3A_182] {strides = array<i32>} : memref<10256xi32, #tpu.memory_space<vmem>>, vector<16xi32>,
      %swap3A_184 = arith.constant 0 : i32
      %swap3A_185 = arith.index_cast %swap3A_184 : i32 to index
      %swap3A_186 = arith.constant 48 : index
      %swap3A_187 = tpu.vector_load %arg16[%swap3A_185, %swap3A_186] {strides = array<i32>} : memref<1x128xi32, #tpu.memory_space<vmem>>, vector<16xi32>,
      tpu.vector_store %arg16[%swap3A_185, %swap3A_186], %get3A_183 {strides = array<i32>} : memref<1x128xi32, #tpu.memory_space<vmem>>, vector<16xi32>,
      %mul3A_188 = arith.constant 128 : i32
      %mul3A_189 = arith.muli %while3A_147, %mul3A_188 : i32
      %add3A_190 = arith.constant 64 : i32
      %add3A_191 = arith.addi %mul3A_189, %add3A_190 : i32
      %get3A_192 = arith.index_cast %add3A_191 : i32 to index
      %get3A_193 = tpu.vector_load %arg15[%get3A_192] {strides = array<i32>} : memref<10256xi32, #tpu.memory_space<vmem>>, vector<16xi32>,
      %swap3A_194 = arith.constant 0 : i32
      %swap3A_195 = arith.index_cast %swap3A_194 : i32 to index
      %swap3A_196 = arith.constant 64 : index
      %swap3A_197 = tpu.vector_load %arg16[%swap3A_195, %swap3A_196] {strides = array<i32>} : memref<1x128xi32, #tpu.memory_space<vmem>>, vector<16xi32>,
      tpu.vector_store %arg16[%swap3A_195, %swap3A_196], %get3A_193 {strides = array<i32>} : memref<1x128xi32, #tpu.memory_space<vmem>>, vector<16xi32>,
      %mul3A_198 = arith.constant 128 : i32
      %mul3A_199 = arith.muli %while3A_147, %mul3A_198 : i32
      %add3A_200 = arith.constant 80 : i32
      %add3A_201 = arith.addi %mul3A_199, %add3A_200 : i32
      %get3A_202 = arith.index_cast %add3A_201 : i32 to index
      %get3A_203 = tpu.vector_load %arg15[%get3A_202] {strides = array<i32>} : memref<10256xi32, #tpu.memory_space<vmem>>, vector<16xi32>,
      %swap3A_204 = arith.constant 0 : i32
      %swap3A_205 = arith.index_cast %swap3A_204 : i32 to index
      %swap3A_206 = arith.constant 80 : index
      %swap3A_207 = tpu.vector_load %arg16[%swap3A_205, %swap3A_206] {strides = array<i32>} : memref<1x128xi32, #tpu.memory_space<vmem>>, vector<16xi32>,
      tpu.vector_store %arg16[%swap3A_205, %swap3A_206], %get3A_203 {strides = array<i32>} : memref<1x128xi32, #tpu.memory_space<vmem>>, vector<16xi32>,
      %mul3A_208 = arith.constant 128 : i32
      %mul3A_209 = arith.muli %while3A_147, %mul3A_208 : i32
      %add3A_210 = arith.constant 96 : i32
      %add3A_211 = arith.addi %mul3A_209, %add3A_210 : i32
      %get3A_212 = arith.index_cast %add3A_211 : i32 to index
      %get3A_213 = tpu.vector_load %arg15[%get3A_212] {strides = array<i32>} : memref<10256xi32, #tpu.memory_space<vmem>>, vector<16xi32>,
      %swap3A_214 = arith.constant 0 : i32
      %swap3A_215 = arith.index_cast %swap3A_214 : i32 to index
      %swap3A_216 = arith.constant 96 : index
      %swap3A_217 = tpu.vector_load %arg16[%swap3A_215, %swap3A_216] {strides = array<i32>} : memref<1x128xi32, #tpu.memory_space<vmem>>, vector<16xi32>,
      tpu.vector_store %arg16[%swap3A_215, %swap3A_216], %get3A_213 {strides = array<i32>} : memref<1x128xi32, #tpu.memory_space<vmem>>, vector<16xi32>,
      %mul3A_218 = arith.constant 128 : i32
      %mul3A_219 = arith.muli %while3A_147, %mul3A_218 : i32
      %add3A_220 = arith.constant 112 : i32
      %add3A_221 = arith.addi %mul3A_219, %add3A_220 : i32
      %get3A_222 = arith.index_cast %add3A_221 : i32 to index
      %get3A_223 = tpu.vector_load %arg15[%get3A_222] {strides = array<i32>} : memref<10256xi32, #tpu.memory_space<vmem>>, vector<16xi32>,
      %swap3A_224 = arith.constant 0 : i32
      %swap3A_225 = arith.index_cast %swap3A_224 : i32 to index
      %swap3A_226 = arith.constant 112 : index
      %swap3A_227 = tpu.vector_load %arg16[%swap3A_225, %swap3A_226] {strides = array<i32>} : memref<1x128xi32, #tpu.memory_space<vmem>>, vector<16xi32>,
      tpu.vector_store %arg16[%swap3A_225, %swap3A_226], %get3A_223 {strides = array<i32>} : memref<1x128xi32, #tpu.memory_space<vmem>>, vector<16xi32>,
      %mul3A_228 = arith.constant 128 : i32
      %mul3A_229 = arith.muli %while3A_147, %mul3A_228 : i32
      %dma_start3A_230 = tpu.memref_slice %arg14[%mul3A_229] : memref<10256xi32, #tpu.memory_space<vmem>> -> memref<128xi32, #tpu.memory_space<vmem>>
      %dma_start3A_231 = arith.constant 0 : i32
      %dma_start3A_232 = arith.constant 0 : i32
      %dma_start3A_233 = tpu.memref_slice %arg2[%dma_start3A_231, %dma_start3A_232] : memref<10000x128xf32, #tpu.memory_space<hbm>> -> memref<10000x128xf32, #tpu.memory_space<hbm>>
      tpu.enqueue_indirect_dma source(%dma_start3A_233 : memref<10000x128xf32, #tpu.memory_space<hbm>>) target(%arg17 : memref<128x128xf32, #tpu.memory_space<vmem>>) offsets(%dma_start3A_230 : memref<128xi32, #tpu.memory_space<vmem>>) semaphore(%arg25 : memref<!tpu.dma_semaphore, #tpu.memory_space<semaphore_mem>>)
      %dma_wait3A_234 = tpu.memref_slice %arg14[%mul3A_229] : memref<10256xi32, #tpu.memory_space<vmem>> -> memref<128xi32, #tpu.memory_space<vmem>>
      %dma_wait3A_235 = arith.constant 0 : i32
      %dma_wait3A_236 = arith.constant 0 : i32
      %dma_wait3A_237 = tpu.memref_slice %arg2[%dma_wait3A_235, %dma_wait3A_236] : memref<10000x128xf32, #tpu.memory_space<hbm>> -> memref<10000x128xf32, #tpu.memory_space<hbm>>
      tpu.wait_indirect_dma semaphore(%arg25 : memref<!tpu.dma_semaphore, #tpu.memory_space<semaphore_mem>>) src(%dma_wait3A_237 : memref<10000x128xf32, #tpu.memory_space<hbm>>) dst(%arg17 : memref<128x128xf32, #tpu.memory_space<vmem>>)
      %run_scoped3A = arith.constant 0 : i32
      "tpu.region"() ({
        %run_scoped3A_239 = tpu.sem_alloc : memref<!tpu.dma_semaphore, #tpu.memory_space<semaphore_mem>>
        %dma_start3A_240 = arith.constant 0 : i32
        %dma_start3A_241 = tpu.memref_slice %arg16[%run_scoped3A, %dma_start3A_240] : memref<1x128xi32, #tpu.memory_space<vmem>> -> memref<1x128xi32, #tpu.memory_space<vmem>>
        %dma_start3A_242 = tpu.memref_squeeze %dma_start3A_241 : memref<1x128xi32, #tpu.memory_space<vmem>> -> memref<128xi32, #tpu.memory_space<vmem>>
        %dma_start3A_243 = arith.constant 0 : i32
        %dma_start3A_244 = arith.constant 0 : i32
        %dma_start3A_245 = tpu.memref_slice %arg23[%dma_start3A_243, %dma_start3A_244] : memref<1040x128xf32, #tpu.memory_space<vmem_shared>> -> memref<1040x128xf32, #tpu.memory_space<vmem_shared>>
        tpu.enqueue_indirect_dma source(%arg17 : memref<128x128xf32, #tpu.memory_space<vmem>>) target(%dma_start3A_245 : memref<1040x128xf32, #tpu.memory_space<vmem_shared>>) offsets(%dma_start3A_242 : memref<128xi32, #tpu.memory_space<vmem>>) semaphore(%run_scoped3A_239 : memref<!tpu.dma_semaphore, #tpu.memory_space<semaphore_mem>>) {add = true}
        %dma_wait3A_246 = arith.constant 0 : i32
        %dma_wait3A_247 = tpu.memref_slice %arg16[%run_scoped3A, %dma_wait3A_246] : memref<1x128xi32, #tpu.memory_space<vmem>> -> memref<1x128xi32, #tpu.memory_space<vmem>>
        %dma_wait3A_248 = tpu.memref_squeeze %dma_wait3A_247 : memref<1x128xi32, #tpu.memory_space<vmem>> -> memref<128xi32, #tpu.memory_space<vmem>>
        %dma_wait3A_249 = arith.constant 0 : i32
        %dma_wait3A_250 = arith.constant 0 : i32
        %dma_wait3A_251 = tpu.memref_slice %arg23[%dma_wait3A_249, %dma_wait3A_250] : memref<1040x128xf32, #tpu.memory_space<vmem_shared>> -> memref<1040x128xf32, #tpu.memory_space<vmem_shared>>
        tpu.wait_indirect_dma semaphore(%run_scoped3A_239 : memref<!tpu.dma_semaphore, #tpu.memory_space<semaphore_mem>>) src(%arg17 : memref<128x128xf32, #tpu.memory_space<vmem>>) dst(%dma_wait3A_251 : memref<1040x128xf32, #tpu.memory_space<vmem_shared>>)
        tpu.yield
      }) : () -> ()
      %run_scoped3A_238 = arith.constant 0 : i32
      "tpu.region"() ({
        %run_scoped3A_239 = tpu.sem_alloc : memref<!tpu.dma_semaphore, #tpu.memory_space<semaphore_mem>>
        %dma_start3A_240 = arith.constant 0 : i32
        %dma_start3A_241 = tpu.memref_slice %arg16[%run_scoped3A_238, %dma_start3A_240] : memref<1x128xi32, #tpu.memory_space<vmem>> -> memref<1x128xi32, #tpu.memory_space<vmem>>
        %dma_start3A_242 = tpu.memref_squeeze %dma_start3A_241 : memref<1x128xi32, #tpu.memory_space<vmem>> -> memref<128xi32, #tpu.memory_space<vmem>>
        %dma_start3A_243 = arith.constant 0 : i32
        %dma_start3A_244 = arith.constant 0 : i32
        %dma_start3A_245 = tpu.memref_slice %arg24[%dma_start3A_243, %dma_start3A_244] : memref<1040x16xf32, #tpu.memory_space<vmem_shared>> -> memref<1040x16xf32, #tpu.memory_space<vmem_shared>>
        tpu.enqueue_indirect_dma source(%arg18 : memref<128x16xf32, #tpu.memory_space<vmem>>) target(%dma_start3A_245 : memref<1040x16xf32, #tpu.memory_space<vmem_shared>>) offsets(%dma_start3A_242 : memref<128xi32, #tpu.memory_space<vmem>>) semaphore(%run_scoped3A_239 : memref<!tpu.dma_semaphore, #tpu.memory_space<semaphore_mem>>) {add = true}
        %dma_wait3A_246 = arith.constant 0 : i32
        %dma_wait3A_247 = tpu.memref_slice %arg16[%run_scoped3A_238, %dma_wait3A_246] : memref<1x128xi32, #tpu.memory_space<vmem>> -> memref<1x128xi32, #tpu.memory_space<vmem>>
        %dma_wait3A_248 = tpu.memref_squeeze %dma_wait3A_247 : memref<1x128xi32, #tpu.memory_space<vmem>> -> memref<128xi32, #tpu.memory_space<vmem>>
        %dma_wait3A_249 = arith.constant 0 : i32
        %dma_wait3A_250 = arith.constant 0 : i32
        %dma_wait3A_251 = tpu.memref_slice %arg24[%dma_wait3A_249, %dma_wait3A_250] : memref<1040x16xf32, #tpu.memory_space<vmem_shared>> -> memref<1040x16xf32, #tpu.memory_space<vmem_shared>>
        tpu.wait_indirect_dma semaphore(%run_scoped3A_239 : memref<!tpu.dma_semaphore, #tpu.memory_space<semaphore_mem>>) src(%arg18 : memref<128x16xf32, #tpu.memory_space<vmem>>) dst(%dma_wait3A_251 : memref<1040x16xf32, #tpu.memory_space<vmem_shared>>)
        tpu.yield
      }) : () -> ()
    }
    %barrier3A_97 = arith.constant 0 : index
    tpu.barrier barrier_id(%barrier3A_97)
    %eq3A = arith.constant 0 : i32
    %eq3A_98 = arith.cmpi eq, %arg0, %eq3A : i32
    %convert_element_type3A = arith.extui %eq3A_98 : i1 to i32
    %cond3A = arith.constant 0 : i32
    %cond3A_99 = arith.cmpi ne, %convert_element_type3A, %cond3A : i32
    scf.if %cond3A_99 {
      %mul3A_147 = arith.constant 64 : i32
      %mul3A_148 = arith.muli %arg1, %mul3A_147 : i32
      %dma_start3A_149 = tpu.memref_slice %arg19[%mul3A_148] : memref<1024xi32, #tpu.memory_space<vmem>> -> memref<64xi32, #tpu.memory_space<vmem>>
      %dma_start3A_150 = arith.constant 0 : i32
      %dma_start3A_151 = arith.constant 0 : i32
      %dma_start3A_152 = tpu.memref_slice %arg2[%dma_start3A_150, %dma_start3A_151] : memref<10000x128xf32, #tpu.memory_space<hbm>> -> memref<10000x128xf32, #tpu.memory_space<hbm>>
      tpu.enqueue_indirect_dma source(%dma_start3A_152 : memref<10000x128xf32, #tpu.memory_space<hbm>>) target(%arg21 : memref<64x128xf32, #tpu.memory_space<vmem>>) offsets(%dma_start3A_149 : memref<64xi32, #tpu.memory_space<vmem>>) semaphore(%arg25 : memref<!tpu.dma_semaphore, #tpu.memory_space<semaphore_mem>>)
      %dma_wait3A_153 = tpu.memref_slice %arg19[%mul3A_148] : memref<1024xi32, #tpu.memory_space<vmem>> -> memref<64xi32, #tpu.memory_space<vmem>>
      %dma_wait3A_154 = arith.constant 0 : i32
      %dma_wait3A_155 = arith.constant 0 : i32
      %dma_wait3A_156 = tpu.memref_slice %arg2[%dma_wait3A_154, %dma_wait3A_155] : memref<10000x128xf32, #tpu.memory_space<hbm>> -> memref<10000x128xf32, #tpu.memory_space<hbm>>
      tpu.wait_indirect_dma semaphore(%arg25 : memref<!tpu.dma_semaphore, #tpu.memory_space<semaphore_mem>>) src(%dma_wait3A_156 : memref<10000x128xf32, #tpu.memory_space<hbm>>) dst(%arg21 : memref<64x128xf32, #tpu.memory_space<vmem>>)
      %mul3A_157 = arith.constant 64 : i32
      %mul3A_158 = arith.muli %arg1, %mul3A_157 : i32
      "tpu.region"() ({
        %run_scoped3A = tpu.sem_alloc : memref<!tpu.dma_semaphore, #tpu.memory_space<semaphore_mem>>
        %dma_start3A_159 = arith.constant 0 : i32
        %dma_start3A_160 = tpu.memref_slice %arg8[%mul3A_158, %dma_start3A_159] : memref<1024x128xf32, #tpu.memory_space<hbm>> -> memref<64x128xf32, #tpu.memory_space<hbm>>
        %dma_start3A_161 = arith.constant 0 : i32
        %dma_start3A_162 = tpu.memref_slice %arg8[%mul3A_158, %dma_start3A_161] : memref<1024x128xf32, #tpu.memory_space<hbm>> -> memref<64x128xf32, #tpu.memory_space<hbm>>
        tpu.enqueue_dma source(%arg21 : memref<64x128xf32, #tpu.memory_space<vmem>>) target(%dma_start3A_162 : memref<64x128xf32, #tpu.memory_space<hbm>>) target_semaphore(%run_scoped3A : memref<!tpu.dma_semaphore, #tpu.memory_space<semaphore_mem>>)
        %dma_wait3A_163 = arith.constant 0 : i32
        %dma_wait3A_164 = tpu.memref_slice %arg8[%mul3A_158, %dma_wait3A_163] : memref<1024x128xf32, #tpu.memory_space<hbm>> -> memref<64x128xf32, #tpu.memory_space<hbm>>
        %dma_wait3A_165 = arith.constant 0 : i32
        %dma_wait3A_166 = tpu.memref_slice %arg8[%mul3A_158, %dma_wait3A_165] : memref<1024x128xf32, #tpu.memory_space<hbm>> -> memref<64x128xf32, #tpu.memory_space<hbm>>
        tpu.wait_dma2 semaphore(%run_scoped3A : memref<!tpu.dma_semaphore, #tpu.memory_space<semaphore_mem>>) src(%arg21 : memref<64x128xf32, #tpu.memory_space<vmem>>) dst(%dma_wait3A_166 : memref<64x128xf32, #tpu.memory_space<hbm>>)
        tpu.yield
      }) : () -> ()
    } else {
    }
    %mul3A_100 = arith.constant 64 : i32
    %mul3A_101 = arith.muli %arg1, %mul3A_100 : i32
    %add3A_102 = arith.constant 0 : i32
    %add3A_103 = arith.addi %mul3A_101, %add3A_102 : i32
    %get3A = arith.index_cast %add3A_103 : i32 to index
    %get3A_104 = tpu.vector_load %arg19[%get3A] {strides = array<i32>} : memref<1024xi32, #tpu.memory_space<vmem>>, vector<16xi32>,
    %gather3A = tpu.vector_load_idx %arg11[%get3A_104] : memref<10000xi32, #tpu.memory_space<vmem>>[vector<16xi32>], vector<16xi32>,
    %swap3A = arith.constant 0 : index
    %swap3A_105 = tpu.vector_load %arg20[%swap3A] {strides = array<i32>} : memref<64xi32, #tpu.memory_space<vmem>>, vector<16xi32>,
    tpu.vector_store %arg20[%swap3A], %gather3A {strides = array<i32>} : memref<64xi32, #tpu.memory_space<vmem>>, vector<16xi32>,
    %mul3A_106 = arith.constant 64 : i32
    %mul3A_107 = arith.muli %arg1, %mul3A_106 : i32
    %add3A_108 = arith.constant 16 : i32
    %add3A_109 = arith.addi %mul3A_107, %add3A_108 : i32
    %get3A_110 = arith.index_cast %add3A_109 : i32 to index
    %get3A_111 = tpu.vector_load %arg19[%get3A_110] {strides = array<i32>} : memref<1024xi32, #tpu.memory_space<vmem>>, vector<16xi32>,
    %gather3A_112 = tpu.vector_load_idx %arg11[%get3A_111] : memref<10000xi32, #tpu.memory_space<vmem>>[vector<16xi32>], vector<16xi32>,
    %swap3A_113 = arith.constant 16 : index
    %swap3A_114 = tpu.vector_load %arg20[%swap3A_113] {strides = array<i32>} : memref<64xi32, #tpu.memory_space<vmem>>, vector<16xi32>,
    tpu.vector_store %arg20[%swap3A_113], %gather3A_112 {strides = array<i32>} : memref<64xi32, #tpu.memory_space<vmem>>, vector<16xi32>,
    %mul3A_115 = arith.constant 64 : i32
    %mul3A_116 = arith.muli %arg1, %mul3A_115 : i32
    %add3A_117 = arith.constant 32 : i32
    %add3A_118 = arith.addi %mul3A_116, %add3A_117 : i32
    %get3A_119 = arith.index_cast %add3A_118 : i32 to index
    %get3A_120 = tpu.vector_load %arg19[%get3A_119] {strides = array<i32>} : memref<1024xi32, #tpu.memory_space<vmem>>, vector<16xi32>,
    %gather3A_121 = tpu.vector_load_idx %arg11[%get3A_120] : memref<10000xi32, #tpu.memory_space<vmem>>[vector<16xi32>], vector<16xi32>,
    %swap3A_122 = arith.constant 32 : index
    %swap3A_123 = tpu.vector_load %arg20[%swap3A_122] {strides = array<i32>} : memref<64xi32, #tpu.memory_space<vmem>>, vector<16xi32>,
    tpu.vector_store %arg20[%swap3A_122], %gather3A_121 {strides = array<i32>} : memref<64xi32, #tpu.memory_space<vmem>>, vector<16xi32>,
    %mul3A_124 = arith.constant 64 : i32
    %mul3A_125 = arith.muli %arg1, %mul3A_124 : i32
    %add3A_126 = arith.constant 48 : i32
    %add3A_127 = arith.addi %mul3A_125, %add3A_126 : i32
    %get3A_128 = arith.index_cast %add3A_127 : i32 to index
    %get3A_129 = tpu.vector_load %arg19[%get3A_128] {strides = array<i32>} : memref<1024xi32, #tpu.memory_space<vmem>>, vector<16xi32>,
    %gather3A_130 = tpu.vector_load_idx %arg11[%get3A_129] : memref<10000xi32, #tpu.memory_space<vmem>>[vector<16xi32>], vector<16xi32>,
    %swap3A_131 = arith.constant 48 : index
    %swap3A_132 = tpu.vector_load %arg20[%swap3A_131] {strides = array<i32>} : memref<64xi32, #tpu.memory_space<vmem>>, vector<16xi32>,
    tpu.vector_store %arg20[%swap3A_131], %gather3A_130 {strides = array<i32>} : memref<64xi32, #tpu.memory_space<vmem>>, vector<16xi32>,
    %dma_start3A = arith.constant 0 : i32
    %dma_start3A_133 = arith.constant 0 : i32
    %dma_start3A_134 = tpu.memref_slice %arg23[%dma_start3A, %dma_start3A_133] : memref<1040x128xf32, #tpu.memory_space<vmem_shared>> -> memref<1040x128xf32, #tpu.memory_space<vmem_shared>>
    tpu.enqueue_indirect_dma source(%dma_start3A_134 : memref<1040x128xf32, #tpu.memory_space<vmem_shared>>) target(%arg21 : memref<64x128xf32, #tpu.memory_space<vmem>>) offsets(%arg20 : memref<64xi32, #tpu.memory_space<vmem>>) semaphore(%arg25 : memref<!tpu.dma_semaphore, #tpu.memory_space<semaphore_mem>>)
    %dma_wait3A = arith.constant 0 : i32
    %dma_wait3A_135 = arith.constant 0 : i32
    %dma_wait3A_136 = tpu.memref_slice %arg23[%dma_wait3A, %dma_wait3A_135] : memref<1040x128xf32, #tpu.memory_space<vmem_shared>> -> memref<1040x128xf32, #tpu.memory_space<vmem_shared>>
    tpu.wait_indirect_dma semaphore(%arg25 : memref<!tpu.dma_semaphore, #tpu.memory_space<semaphore_mem>>) src(%dma_wait3A_136 : memref<1040x128xf32, #tpu.memory_space<vmem_shared>>) dst(%arg21 : memref<64x128xf32, #tpu.memory_space<vmem>>)
    %mul3A_137 = arith.constant 64 : i32
    %mul3A_138 = arith.muli %arg1, %mul3A_137 : i32
    "tpu.region"() ({
      %run_scoped3A = tpu.sem_alloc : memref<!tpu.dma_semaphore, #tpu.memory_space<semaphore_mem>>
      %dma_start3A_147 = arith.constant 0 : i32
      %dma_start3A_148 = arith.constant 0 : i32
      %dma_start3A_149 = tpu.memref_slice %arg9[%arg0, %dma_start3A_147, %dma_start3A_148] : memref<2x1024x128xf32, #tpu.memory_space<hbm>> -> memref<1x1024x128xf32, #tpu.memory_space<hbm>>
      %dma_start3A_150 = tpu.memref_squeeze %dma_start3A_149 : memref<1x1024x128xf32, #tpu.memory_space<hbm>> -> memref<1024x128xf32, #tpu.memory_space<hbm>>
      %dma_start3A_151 = arith.constant 0 : i32
      %dma_start3A_152 = tpu.memref_slice %dma_start3A_150[%mul3A_138, %dma_start3A_151] : memref<1024x128xf32, #tpu.memory_space<hbm>> -> memref<64x128xf32, #tpu.memory_space<hbm>>
      %dma_start3A_153 = arith.constant 0 : i32
      %dma_start3A_154 = arith.constant 0 : i32
      %dma_start3A_155 = tpu.memref_slice %arg9[%arg0, %dma_start3A_153, %dma_start3A_154] : memref<2x1024x128xf32, #tpu.memory_space<hbm>> -> memref<1x1024x128xf32, #tpu.memory_space<hbm>>
      %dma_start3A_156 = tpu.memref_squeeze %dma_start3A_155 : memref<1x1024x128xf32, #tpu.memory_space<hbm>> -> memref<1024x128xf32, #tpu.memory_space<hbm>>
      %dma_start3A_157 = arith.constant 0 : i32
      %dma_start3A_158 = tpu.memref_slice %dma_start3A_156[%mul3A_138, %dma_start3A_157] : memref<1024x128xf32, #tpu.memory_space<hbm>> -> memref<64x128xf32, #tpu.memory_space<hbm>>
      tpu.enqueue_dma source(%arg21 : memref<64x128xf32, #tpu.memory_space<vmem>>) target(%dma_start3A_158 : memref<64x128xf32, #tpu.memory_space<hbm>>) target_semaphore(%run_scoped3A : memref<!tpu.dma_semaphore, #tpu.memory_space<semaphore_mem>>)
      %dma_wait3A_159 = arith.constant 0 : i32
      %dma_wait3A_160 = arith.constant 0 : i32
      %dma_wait3A_161 = tpu.memref_slice %arg9[%arg0, %dma_wait3A_159, %dma_wait3A_160] : memref<2x1024x128xf32, #tpu.memory_space<hbm>> -> memref<1x1024x128xf32, #tpu.memory_space<hbm>>
      %dma_wait3A_162 = tpu.memref_squeeze %dma_wait3A_161 : memref<1x1024x128xf32, #tpu.memory_space<hbm>> -> memref<1024x128xf32, #tpu.memory_space<hbm>>
      %dma_wait3A_163 = arith.constant 0 : i32
      %dma_wait3A_164 = tpu.memref_slice %dma_wait3A_162[%mul3A_138, %dma_wait3A_163] : memref<1024x128xf32, #tpu.memory_space<hbm>> -> memref<64x128xf32, #tpu.memory_space<hbm>>
      %dma_wait3A_165 = arith.constant 0 : i32
      %dma_wait3A_166 = arith.constant 0 : i32
      %dma_wait3A_167 = tpu.memref_slice %arg9[%arg0, %dma_wait3A_165, %dma_wait3A_166] : memref<2x1024x128xf32, #tpu.memory_space<hbm>> -> memref<1x1024x128xf32, #tpu.memory_space<hbm>>
      %dma_wait3A_168 = tpu.memref_squeeze %dma_wait3A_167 : memref<1x1024x128xf32, #tpu.memory_space<hbm>> -> memref<1024x128xf32, #tpu.memory_space<hbm>>
      %dma_wait3A_169 = arith.constant 0 : i32
      %dma_wait3A_170 = tpu.memref_slice %dma_wait3A_168[%mul3A_138, %dma_wait3A_169] : memref<1024x128xf32, #tpu.memory_space<hbm>> -> memref<64x128xf32, #tpu.memory_space<hbm>>
      tpu.wait_dma2 semaphore(%run_scoped3A : memref<!tpu.dma_semaphore, #tpu.memory_space<semaphore_mem>>) src(%arg21 : memref<64x128xf32, #tpu.memory_space<vmem>>) dst(%dma_wait3A_170 : memref<64x128xf32, #tpu.memory_space<hbm>>)
      tpu.yield
    }) : () -> ()
    %dma_start3A_139 = arith.constant 0 : i32
    %dma_start3A_140 = arith.constant 0 : i32
    %dma_start3A_141 = tpu.memref_slice %arg24[%dma_start3A_139, %dma_start3A_140] : memref<1040x16xf32, #tpu.memory_space<vmem_shared>> -> memref<1040x16xf32, #tpu.memory_space<vmem_shared>>
    tpu.enqueue_indirect_dma source(%dma_start3A_141 : memref<1040x16xf32, #tpu.memory_space<vmem_shared>>) target(%arg22 : memref<64x16xf32, #tpu.memory_space<vmem>>) offsets(%arg20 : memref<64xi32, #tpu.memory_space<vmem>>) semaphore(%arg25 : memref<!tpu.dma_semaphore, #tpu.memory_space<semaphore_mem>>)
    %dma_wait3A_142 = arith.constant 0 : i32
    %dma_wait3A_143 = arith.constant 0 : i32
    %dma_wait3A_144 = tpu.memref_slice %arg24[%dma_wait3A_142, %dma_wait3A_143] : memref<1040x16xf32, #tpu.memory_space<vmem_shared>> -> memref<1040x16xf32, #tpu.memory_space<vmem_shared>>
    tpu.wait_indirect_dma semaphore(%arg25 : memref<!tpu.dma_semaphore, #tpu.memory_space<semaphore_mem>>) src(%dma_wait3A_144 : memref<1040x16xf32, #tpu.memory_space<vmem_shared>>) dst(%arg22 : memref<64x16xf32, #tpu.memory_space<vmem>>)
    %mul3A_145 = arith.constant 64 : i32
    %mul3A_146 = arith.muli %arg1, %mul3A_145 : i32
    "tpu.region"() ({
      %run_scoped3A = tpu.sem_alloc : memref<!tpu.dma_semaphore, #tpu.memory_space<semaphore_mem>>
      %dma_start3A_147 = arith.constant 0 : i32
      %dma_start3A_148 = arith.constant 0 : i32
      %dma_start3A_149 = tpu.memref_slice %arg10[%arg0, %dma_start3A_147, %dma_start3A_148] : memref<2x1024x16xf32, #tpu.memory_space<hbm>> -> memref<1x1024x16xf32, #tpu.memory_space<hbm>>
      %dma_start3A_150 = tpu.memref_squeeze %dma_start3A_149 : memref<1x1024x16xf32, #tpu.memory_space<hbm>> -> memref<1024x16xf32, #tpu.memory_space<hbm>>
      %dma_start3A_151 = arith.constant 0 : i32
      %dma_start3A_152 = tpu.memref_slice %dma_start3A_150[%mul3A_146, %dma_start3A_151] : memref<1024x16xf32, #tpu.memory_space<hbm>> -> memref<64x16xf32, #tpu.memory_space<hbm>>
      %dma_start3A_153 = arith.constant 0 : i32
      %dma_start3A_154 = arith.constant 0 : i32
      %dma_start3A_155 = tpu.memref_slice %arg10[%arg0, %dma_start3A_153, %dma_start3A_154] : memref<2x1024x16xf32, #tpu.memory_space<hbm>> -> memref<1x1024x16xf32, #tpu.memory_space<hbm>>
      %dma_start3A_156 = tpu.memref_squeeze %dma_start3A_155 : memref<1x1024x16xf32, #tpu.memory_space<hbm>> -> memref<1024x16xf32, #tpu.memory_space<hbm>>
      %dma_start3A_157 = arith.constant 0 : i32
      %dma_start3A_158 = tpu.memref_slice %dma_start3A_156[%mul3A_146, %dma_start3A_157] : memref<1024x16xf32, #tpu.memory_space<hbm>> -> memref<64x16xf32, #tpu.memory_space<hbm>>
      tpu.enqueue_dma source(%arg22 : memref<64x16xf32, #tpu.memory_space<vmem>>) target(%dma_start3A_158 : memref<64x16xf32, #tpu.memory_space<hbm>>) target_semaphore(%run_scoped3A : memref<!tpu.dma_semaphore, #tpu.memory_space<semaphore_mem>>)
      %dma_wait3A_159 = arith.constant 0 : i32
      %dma_wait3A_160 = arith.constant 0 : i32
      %dma_wait3A_161 = tpu.memref_slice %arg10[%arg0, %dma_wait3A_159, %dma_wait3A_160] : memref<2x1024x16xf32, #tpu.memory_space<hbm>> -> memref<1x1024x16xf32, #tpu.memory_space<hbm>>
      %dma_wait3A_162 = tpu.memref_squeeze %dma_wait3A_161 : memref<1x1024x16xf32, #tpu.memory_space<hbm>> -> memref<1024x16xf32, #tpu.memory_space<hbm>>
      %dma_wait3A_163 = arith.constant 0 : i32
      %dma_wait3A_164 = tpu.memref_slice %dma_wait3A_162[%mul3A_146, %dma_wait3A_163] : memref<1024x16xf32, #tpu.memory_space<hbm>> -> memref<64x16xf32, #tpu.memory_space<hbm>>
      %dma_wait3A_165 = arith.constant 0 : i32
      %dma_wait3A_166 = arith.constant 0 : i32
      %dma_wait3A_167 = tpu.memref_slice %arg10[%arg0, %dma_wait3A_165, %dma_wait3A_166] : memref<2x1024x16xf32, #tpu.memory_space<hbm>> -> memref<1x1024x16xf32, #tpu.memory_space<hbm>>
      %dma_wait3A_168 = tpu.memref_squeeze %dma_wait3A_167 : memref<1x1024x16xf32, #tpu.memory_space<hbm>> -> memref<1024x16xf32, #tpu.memory_space<hbm>>
      %dma_wait3A_169 = arith.constant 0 : i32
      %dma_wait3A_170 = tpu.memref_slice %dma_wait3A_168[%mul3A_146, %dma_wait3A_169] : memref<1024x16xf32, #tpu.memory_space<hbm>> -> memref<64x16xf32, #tpu.memory_space<hbm>>
      tpu.wait_dma2 semaphore(%run_scoped3A : memref<!tpu.dma_semaphore, #tpu.memory_space<semaphore_mem>>) src(%arg22 : memref<64x16xf32, #tpu.memory_space<vmem>>) dst(%dma_wait3A_170 : memref<64x16xf32, #tpu.memory_space<hbm>>)
      tpu.yield
    }) : () -> ()
    return
  }
}

module attributes {stable_mosaic.version = 14 : i64} {
  func.func @_tc_combine_body(%arg0: memref<1024x128xf32, #tpu.memory_space<vmem>>, %arg1: memref<2x1024x128xf32, #tpu.memory_space<vmem>>, %arg2: memref<2x1024x16xf32, #tpu.memory_space<vmem>>, %arg3: memref<128x2xf32, #tpu.memory_space<vmem>>, %arg4: memref<256x128xf32, #tpu.memory_space<vmem>>, %arg5: memref<1024x128xf32, #tpu.memory_space<vmem>>, %arg6: memref<1024x2xf32, #tpu.memory_space<vmem>>) attributes {dimension_semantics = [], scalar_prefetch = 0 : i64, scratch_operands = 0 : i64, tpu.core_type = #tpu.core_type<tc>} {
    %get3A = arith.constant 0 : index
    %get3A_0 = arith.constant 0 : index
    %get3A_1 = vector.load %arg0[%get3A, %get3A_0] : memref<1024x128xf32, #tpu.memory_space<vmem>>, vector<1024x128xf32>
    %get3A_2 = arith.constant 0 : index
    %get3A_3 = arith.constant 0 : index
    %get3A_4 = arith.constant 0 : index
    %get3A_5 = vector.load %arg1[%get3A_2, %get3A_3, %get3A_4] : memref<2x1024x128xf32, #tpu.memory_space<vmem>>, vector<1x1024x128xf32>
    %get3A_6 = vector.shape_cast %get3A_5 : vector<1x1024x128xf32> to vector<1024x128xf32>
    %get3A_7 = arith.constant 1 : index
    %get3A_8 = arith.constant 0 : index
    %get3A_9 = arith.constant 0 : index
    %get3A_10 = vector.load %arg1[%get3A_7, %get3A_8, %get3A_9] : memref<2x1024x128xf32, #tpu.memory_space<vmem>>, vector<1x1024x128xf32>
    %get3A_11 = vector.shape_cast %get3A_10 : vector<1x1024x128xf32> to vector<1024x128xf32>
    %add3A = arith.addf %get3A_6, %get3A_11 : vector<1024x128xf32>
    %get3A_12 = arith.constant 0 : index
    %get3A_13 = arith.constant 0 : index
    %get3A_14 = arith.constant 0 : index
    %get3A_15 = vector.load %arg2[%get3A_12, %get3A_13, %get3A_14] : memref<2x1024x16xf32, #tpu.memory_space<vmem>>, vector<1x1024x16xf32>
    %get3A_16 = vector.shape_cast %get3A_15 : vector<1x1024x16xf32> to vector<1024x16xf32>
    %reduce_sum3A = arith.constant dense<0.000000e+00> : vector<1024xf32>
    %reduce_sum3A_17 = vector.multi_reduction <add>, %get3A_16, %reduce_sum3A [1] : vector<1024x16xf32> to vector<1024xf32>
    %get3A_18 = arith.constant 1 : index
    %get3A_19 = arith.constant 0 : index
    %get3A_20 = arith.constant 0 : index
    %get3A_21 = vector.load %arg2[%get3A_18, %get3A_19, %get3A_20] : memref<2x1024x16xf32, #tpu.memory_space<vmem>>, vector<1x1024x16xf32>
    %get3A_22 = vector.shape_cast %get3A_21 : vector<1x1024x16xf32> to vector<1024x16xf32>
    %reduce_sum3A_23 = arith.constant dense<0.000000e+00> : vector<1024xf32>
    %reduce_sum3A_24 = vector.multi_reduction <add>, %get3A_22, %reduce_sum3A_23 [1] : vector<1024x16xf32> to vector<1024xf32>
    %add3A_25 = arith.addf %reduce_sum3A_17, %reduce_sum3A_24 : vector<1024xf32>
    %mul3A = arith.constant 6.250000e-02 : f32
    %mul3A_26 = vector.broadcast %mul3A : f32 to vector<1024xf32>
    %mul3A_27 = arith.mulf %add3A_25, %mul3A_26 : vector<1024xf32>
    %jit3A = arith.constant 1.000000e+00 : f32
    %max3A = vector.broadcast %jit3A : f32 to vector<1024xf32>
    %max3A_28 = arith.maximumf %max3A, %mul3A_27 : vector<1024xf32>
    %broadcast_in_dim3A = vector.shape_cast %max3A_28 : vector<1024xf32> to vector<1024x1xf32>
    %div3A = vector.broadcast %broadcast_in_dim3A : vector<1024x1xf32> to vector<1024x128xf32>
    %div3A_29 = arith.divf %add3A, %div3A : vector<1024x128xf32>
    %get3A_30 = arith.constant 0 : index
    %get3A_31 = arith.constant 0 : index
    %get3A_32 = vector.load %arg4[%get3A_30, %get3A_31] : memref<256x128xf32, #tpu.memory_space<vmem>>, vector<256x128xf32>
    %slice3A = vector.extract_strided_slice %get3A_32 {offsets = [0, 0], sizes = [128, 128], strides = [1, 1]} : vector<256x128xf32> to vector<128x128xf32>
    %dot_general3A = arith.constant dense<0.000000e+00> : vector<1024x128xf32>
    %dot_general3A_33 = tpu.matmul %get3A_1, %slice3A, %dot_general3A {dimension_numbers = #tpu.dot_dimension_numbers<[1], [0], [0], [1], [0, 0, 1, 1], [], []>, transpose_lhs_hint = false} : vector<1024x128xf32>, vector<128x128xf32>, vector<1024x128xf32> -> vector<1024x128xf32>
    %slice3A_34 = vector.extract_strided_slice %get3A_32 {offsets = [128, 0], sizes = [128, 128], strides = [1, 1]} : vector<256x128xf32> to vector<128x128xf32>
    %dot_general3A_35 = arith.constant dense<0.000000e+00> : vector<1024x128xf32>
    %dot_general3A_36 = tpu.matmul %div3A_29, %slice3A_34, %dot_general3A_35 {dimension_numbers = #tpu.dot_dimension_numbers<[1], [0], [0], [1], [0, 0, 1, 1], [], []>, transpose_lhs_hint = false} : vector<1024x128xf32>, vector<128x128xf32>, vector<1024x128xf32> -> vector<1024x128xf32>
    %add3A_37 = arith.addf %dot_general3A_33, %dot_general3A_36 : vector<1024x128xf32>
    %max3A_38 = arith.constant 0.000000e+00 : f32
    %max3A_39 = vector.broadcast %max3A_38 : f32 to vector<1024x128xf32>
    %max3A_40 = arith.maximumf %add3A_37, %max3A_39 : vector<1024x128xf32>
    %mul3A_41 = arith.mulf %max3A_40, %max3A_40 : vector<1024x128xf32>
    %reduce_sum3A_42 = arith.constant dense<0.000000e+00> : vector<1024xf32>
    %reduce_sum3A_43 = vector.multi_reduction <add>, %mul3A_41, %reduce_sum3A_42 [1] : vector<1024x128xf32> to vector<1024xf32>
    %broadcast_in_dim3A_44 = vector.shape_cast %reduce_sum3A_43 : vector<1024xf32> to vector<1024x1xf32>
    %sqrt3A = math.sqrt %broadcast_in_dim3A_44 : vector<1024x1xf32>
    %add3A_45 = arith.constant 9.99999996E-13 : f32
    %add3A_46 = vector.broadcast %add3A_45 : f32 to vector<1024x1xf32>
    %add3A_47 = arith.addf %sqrt3A, %add3A_46 : vector<1024x1xf32>
    %div3A_48 = vector.broadcast %add3A_47 : vector<1024x1xf32> to vector<1024x128xf32>
    %div3A_49 = arith.divf %max3A_40, %div3A_48 : vector<1024x128xf32>
    %swap3A = arith.constant 0 : index
    %swap3A_50 = arith.constant 0 : index
    %swap3A_51 = vector.load %arg5[%swap3A, %swap3A_50] : memref<1024x128xf32, #tpu.memory_space<vmem>>, vector<1024x128xf32>
    tpu.vector_store %arg5[%swap3A, %swap3A_50], %div3A_49 {strides = array<i32>} : memref<1024x128xf32, #tpu.memory_space<vmem>>, vector<1024x128xf32>,
    %get3A_52 = arith.constant 0 : index
    %get3A_53 = arith.constant 0 : index
    %get3A_54 = vector.load %arg3[%get3A_52, %get3A_53] : memref<128x2xf32, #tpu.memory_space<vmem>>, vector<128x2xf32>
    %dot_general3A_55 = arith.constant dense<0.000000e+00> : vector<1024x2xf32>
    %dot_general3A_56 = tpu.matmul %get3A_1, %get3A_54, %dot_general3A_55 {dimension_numbers = #tpu.dot_dimension_numbers<[1], [0], [0], [1], [0, 0, 1, 1], [], []>, transpose_lhs_hint = false} : vector<1024x128xf32>, vector<128x2xf32>, vector<1024x2xf32> -> vector<1024x2xf32>
    %swap3A_57 = arith.constant 0 : index
    %swap3A_58 = arith.constant 0 : index
    %swap3A_59 = vector.load %arg6[%swap3A_57, %swap3A_58] : memref<1024x2xf32, #tpu.memory_space<vmem>>, vector<1024x2xf32>
    tpu.vector_store %arg6[%swap3A_57, %swap3A_58], %dot_general3A_56 {strides = array<i32>} : memref<1024x2xf32, #tpu.memory_space<vmem>>, vector<1024x2xf32>,
    return
  }
}

</mosaic_0001>

<sc_bundles>
// kernel: kernel.4.cloned.1.call-start
scs
__scs_entry_jumppad:
0x0: {  	(pc) =	sbr.rel $0x88, $3  }
0x1: {  	(tag) =	ssettag $0x0;
	lr =	simm.s32 $0x1  }
0x2: {  	[smem:$0x3F9C] =	sst lr;
	_ =	strace $0xD0000000  }
0x3: {  	_ = 	snop  }
0x4: {  	_ = 	snop  }
0x5: {  	_ = 	snop  }
0x6: {  	_ = 	snop  }
0x7: {  	_ = 	snop  }
__scs_overlays_trampoline_lowered:
0x8: {  	[smem:$0x3FAB] =	sst s0  }
0x9: {  	[smem:$0x3FAC] =	sst s1  }
0xa: {  	[smem:$0x3FAD] =	sst s2  }
0xb: {  	[smem:$0x3FAE] =	sst s3  }
0xc: {  	[smem:$0x3FAF] =	sst s4  }
0xd: {  	[smem:$0x3FB0] =	sst s5  }
0xe: {  	[smem:$0x3FB1] =	sst s6  }
0xf: {  	[smem:$0x3FB2] =	sst s7  }
0x10: {  	[smem:$0x3FB3] =	sst s8  }
0x11: {  	[smem:$0x3FB4] =	sst s9;
	s0 =	simm.s32 @!p0 $0x0  }
0x12: {  	s1 =	sld [smem:$0x3F9A];
	s0 =	simm.s32 @p0 $0x1  }
0x13: {  	[smem:$0x3FB5] =	sst s0;
	s0 =	simm.s32 @!p1 $0x0  }
0x14: {  	s2 =	sld [smem:$0x3F99];
	s0 =	simm.s32 @p1 $0x1  }
0x15: {  	[smem:$0x3FB6] =	sst s0;
	s0 =	simm.s32 @!p2 $0x0  }
0x16: {  	s3 =	sld [smem:$0x3FDB];
	s0 =	simm.s32 @p2 $0x1  }
0x17: {  	s4 =	simm.s32 $0x1BF5;
	[smem:$0x3FB8] =	sst s0  }
0x18: {  	s0 =	sld [smem:$0x3F9B];
	_ =	swait.ge [sflag:s4], $0x0  }
0x19: {  	s7 =	sld [smem:$0x3F9C]  }
0x1a: {  	s8 =	sadd.s32 $0xFFFFE003, lr  }
0x1b: {  	s9 =	sadd.s32 $0xFFFFFEF7, lr;
	s5 =	simm.s32 $0xFFFFFFFF;
	p2 =	slt.u32 s8, $0xFFFFF086  }
0x1c: {  	p1 =	slt.u32 s9, $0xF7A;
	s5 =	simm.s32 @!p2 $0x0  }
0x1d: {  	s5 =	simm.s32 @p1 $0x1;
	p0 =	seq.s32 s7, s2  }
0x1e: {  	s7 =	smul.u32 @!p0 $0xF7A, s2;
	p2 =	seq.s32 @!p0 s5, $0x0  }
0x1f: {  	s9 =	smul.u32 $0xF7A, s1;
	s8 =	simm.s32 @!p0 $0x1BF5;
	p2 =	por !p2, p0  }
0x20: {  	[sflag:s8] =	ssyncset.s32 @!p0 $0xFFFFF086;
	s6 =	sadd.s32 @!p0 s3, s7;
	s7 =	simm.s32 @!p0 $0x108  }
0x21: {  	s3 =	sadd.s32 s3, s9;
	s6 =	sadd.s32 @!p0 $0x88, s6;
	s7 =	simm.s32 @p2 $0x1082  }
0x22: {  	[simem:s7], [sflag:s8] =	dma.local @!p0 [hbm:s6], $0xF7A  }
0x23: {  	s9 =	sor.u32 $0xD0000000, s2;
	s6 =	simm.s32 $0x108;
	_ =	swait.ge @!p0 [sflag:s8], $0x0  }
0x24: {  	s3 =	sadd.s32 $0x88, s3;
	s6 =	simm.s32 @!p1 $0x1082;
	[sflag:s4] =	ssyncset.s32 $0xFFFFF086  }
0x25: {  	[simem:s6], [sflag:s4] =	dma.local [hbm:s3], $0xF7A  }
0x26: {  	[smem:$0x3F9C] =	sst s1;
	(tag) =	ssettag s2;
	_ =	strace s9  }
0x27: {  	s1 =	sld [smem:$0x3FAC]  }
0x28: {  	s2 =	sld [smem:$0x3FAD]  }
0x29: {  	s4 =	sld [smem:$0x3FAF]  }
0x2a: {  	p0 =	seq.s32 s5, $0x0;
	s5 =	sld [smem:$0x3FB0]  }
0x2b: {  	s6 =	sld [smem:$0x3FB1]  }
0x2c: {  	s7 =	sld [smem:$0x3FB2]  }
0x2d: {  	s3 =	simm.s32 $0x108;
	s8 =	sld [smem:$0x3FB3]  }
0x2e: {  	s3 =	simm.s32 @!p0 $0x1082;
	s9 =	sld [smem:$0x3FB4]  }
0x2f: {  	lr =	sadd.s32 s0, s3;
	s0 =	sld [smem:$0x3FAB]  }
0x30: {  	s3 =	sld [smem:$0x3FAE]  }
0x31: {  	[smem:$0x3FB7] =	sst s10  }
0x32: {  	s10 =	sld [smem:$0x3FB5];
	_ =	sdelay $0x3  }
0x33: {  	p0 =	seq.s32 s10, $0x1;
	s10 =	sld [smem:$0x3FB7];
	_ =	sdelay $0x3  }
0x34: {  	[smem:$0x3FB7] =	sst s10  }
0x35: {  	s10 =	sld [smem:$0x3FB6];
	_ =	sdelay $0x3  }
0x36: {  	p1 =	seq.s32 s10, $0x1;
	s10 =	sld [smem:$0x3FB7];
	_ =	sdelay $0x3  }
0x37: {  	[smem:$0x3FB7] =	sst s10  }
0x38: {  	s10 =	sld [smem:$0x3FB8]  }
0x39: {  	_ = 	snop;
	(pc) =	sbr.ind lr, $3  }
0x3a: {  	_ = 	snop  }
0x3b: {  	_ = 	snop  }
0x3c: {  	p2 =	seq.s32 s10, $0x1;
	s10 =	sld [smem:$0x3FB7]  }
0x3d: {  	_ =	shalt  }
0x3e: {  	_ =	shalt  }
0x3f: {  	_ =	shalt  }
0x40: {  	_ =	shalt  }
0x41: {  	_ =	shalt  }
0x42: {  	_ =	shalt  }
0x43: {  	_ =	shalt  }
0x44: {  	_ =	shalt  }
0x45: {  	_ =	shalt  }
0x46: {  	_ =	shalt  }
0x47: {  	_ =	shalt  }
0x48: {  	_ =	shalt  }
0x49: {  	_ =	shalt  }
0x4a: {  	_ =	shalt  }
0x4b: {  	_ =	shalt  }
0x4c: {  	_ =	shalt  }
0x4d: {  	_ =	shalt  }
0x4e: {  	_ =	shalt  }
0x4f: {  	_ =	shalt  }
0x50: {  	_ =	shalt  }
0x51: {  	_ =	shalt  }
0x52: {  	_ =	shalt  }
0x53: {  	_ =	shalt  }
0x54: {  	_ =	shalt  }
0x55: {  	_ =	shalt  }
0x56: {  	_ =	shalt  }
0x57: {  	_ =	shalt  }
0x58: {  	_ =	shalt  }
0x59: {  	_ =	shalt  }
0x5a: {  	_ =	shalt  }
0x5b: {  	_ =	shalt  }
0x5c: {  	_ =	shalt  }
0x5d: {  	_ =	shalt  }
0x5e: {  	_ =	shalt  }
0x5f: {  	_ =	shalt  }
0x60: {  	_ =	shalt  }
0x61: {  	_ =	shalt  }
0x62: {  	_ =	shalt  }
0x63: {  	_ =	shalt  }
0x64: {  	_ =	shalt  }
0x65: {  	_ =	shalt  }
0x66: {  	_ =	shalt  }
0x67: {  	_ =	shalt  }
0x68: {  	_ =	shalt  }
0x69: {  	_ =	shalt  }
0x6a: {  	_ =	shalt  }
0x6b: {  	_ =	shalt  }
0x6c: {  	_ =	shalt  }
0x6d: {  	_ =	shalt  }
0x6e: {  	_ =	shalt  }
0x6f: {  	_ =	shalt  }
0x70: {  	_ =	shalt  }
0x71: {  	_ =	shalt  }
0x72: {  	_ =	shalt  }
0x73: {  	_ =	shalt  }
0x74: {  	_ =	shalt  }
0x75: {  	_ =	shalt  }
0x76: {  	_ =	shalt  }
0x77: {  	_ =	shalt  }
0x78: {  	_ =	shalt  }
0x79: {  	_ =	shalt  }
0x7a: {  	_ =	shalt  }
0x7b: {  	_ =	shalt  }
0x7c: {  	_ =	shalt  }
0x7d: {  	_ =	shalt  }
0x7e: {  	_ =	shalt  }
0x7f: {  	_ =	shalt  }
0x80: {  	_ =	shalt  }
0x81: {  	_ =	shalt  }
0x82: {  	_ =	shalt  }
0x83: {  	_ =	shalt  }
0x84: {  	_ =	shalt  }
0x85: {  	_ =	shalt  }
0x86: {  	_ =	shalt  }
0x87: {  	_ =	shalt  }
.Lfunc_end0:
.L_simem_size_0:
called_computation_lowered:
.L_overlay_start_0:
0x88: {  	s2 =	sld [smem:$0x3FD9]  }
0x89: {  	s3 =	sld [smem:$0x3FFE];
	_ =	sdelay $0x1  }
0x8a: {  	s1 =	srdreg.scid  }
0x8b: {  	s0 =	sand.u32 $0x1, s1  }
0x8c: {  	s14 =	sshll.u32 s0, $0xA;
	s2 =	sadd.s32 s3, s2  }
0x8d: {  	s2 =	sadd.s32 s2, s14  }
0x8e: {  	[smem:$0x3FC3] =	sst s2  }
0x8f: {  	_ = 	snop  }
0x90: {  	s2 =	sld [smem:$0x3FD0];
	_ =	sdelay $0x1  }
0x91: {  	s15 =	sld [smem:$0x3FC9]  }
0x92: {  	s5 =	simm.s32 $0xA;
	s6 =	simm.s32 $0x10;
	s4 =	sld [smem:$0x3FC8]  }
0x93: {  	[smem:s6], [sflag:s5] =	dma.local [hbm:s2], $0x1  }
0x94: {  	_ =	swait.eq [sflag:s5], $0x1  }
0x95: {  	[sflag:s5] =	ssyncset.done $0x0  }
0x96: {  	[sflag:s5] =	ssyncadd.s32 $0xFFFFFFFF  }
0x97: {  	s16 =	sld [smem:$0x10];
	(tm) =	ssettm $0x1  }
0x98: {  	s17 =	sld [smem:$0x3FFB];
	_ =	sdelay $0x3  }
0x99: {  	_ =	strace s17  }
0x9a: {  	s5 =	sld [smem:$0x3FFC];
	_ =	sdelay $0x3  }
0x9b: {  	_ =	strace s5  }
0x9c: {  	s5 =	sld [smem:$0x3FFD];
	_ =	sdelay $0x3  }
0x9d: {  	_ =	strace s5  }
0x9e: {  	_ =	strace $0x8FFFFFFF  }
0x9f: {  	s18 =	sld [smem:$0x3FDB];
	_ =	sdelay $0x1  }
0xa0: {  	s19 =	simm.s32 $_scs_section_size  }
0xa1: {  	s7 =	simm.s32 $_size__tile_overlayer_lowered;
	s8 =	simm.s32 $_tile_overlayer_lowered  }
0xa2: {  	s22 =	simm.s32 $0x1BFF;
	s21 =	sshll.u32 s8, $0x1;
	s5 =	sadd.s32 s19, s18  }
0xa3: {  	s9 =	simm.s32 $0x0;
	s20 =	sshll.u32 s7, $0x1;
	s7 =	sadd.s32 s21, s5  }
0xa4: {  	[timem:s9], [sflag:s22] =	dma.local [hbm:s7], s20  }
0xa5: {  	_ =	swait.ge [sflag:s22], s20  }
0xa6: {  	s6 =	ssub.s32 $0x0, s20;
	[sflag:s22] =	ssyncset.done $0x0  }
0xa7: {  	[sflag:s22] =	ssyncadd.s32 s6;
	_ =	sdelay $0x1  }
0xa8: {  	s23 =	simm.s32 $0x1B8B  }
0xa9: {  	_ =	swait.ge [sflag:s23], $0x1  }
0xaa: {  	[sflag:s23] =	ssyncset.done $0x0  }
0xab: {  	s25 =	simm.s32 $0x1B8E;
	s24 =	sld [smem:$0x3FFE];
	[sflag:s23] =	ssyncadd.s32 $0xFFFFFFFF  }
0xac: {  	s26 =	simm.s32 $execute0_lowered;
	[smem:$0x3FD2] =	sst s25  }
0xad: {  	s7 =	sshll.u32 s26, $0x1;
	_ =	strace $0x80000046;
	[dreg:$0x1] =	wrdreg $0xFFFFFFFF  }
0xae: {  	s28 =	simm.s32 $_size_execute0_lowered;
	s5 =	sadd.s32 s5, s7;
	[dreg:$0x0] =	wrdreg $0x0  }
0xaf: {  	s7 =	sshll.u32 s28, $0x1;
	[dreg:$0x2] =	wrdreg s5  }
0xb0: {  	[dreg:$0x3] =	wrdreg s7  }
0xb1: {  	[dreg:$0x4] =	wrdreg $0xC0  }
0xb2: {  	_ =	task [dreg:s9], $0x5FFFF  }
0xb3: {  	[dreg:$0x1] =	wrdreg $0xFFFFFFFF  }
0xb4: {  	[dreg:$0x0] =	wrdreg $0x60  }
0xb5: {  	[dreg:$0x2] =	wrdreg s15  }
0xb6: {  	[dreg:$0x3] =	wrdreg s24  }
0xb7: {  	[dreg:$0x4] =	wrdreg s4  }
0xb8: {  	[dreg:$0x5] =	wrdreg s16  }
0xb9: {  	[dreg:$0x6] =	wrdreg $0x18C800  }
0xba: {  	[dreg:$0x7] =	wrdreg $0x1AD000  }
0xbb: {  	[dreg:$0x8] =	wrdreg $0x9  }
0xbc: {  	_ =	task.clear_ibuf [dreg:s9], $0x9FFFF;
	_ =	strace $0x90000046  }
0xbd: {  	s29 =	simm.s32 $0x9;
	_ =	strace $0x80000048  }
0xbe: {  	_ =	swait.ge [sflag:s29], $0x1  }
0xbf: {  	[sflag:s29] =	ssyncadd.s32 $0xFFFFFFFF  }
0xc0: {  	_ =	strace $0x90000048  }
0xc1: {  	_ =	sfence  }
0xc2: {  	s30 =	sld [smem:$0x0];
	_ =	sdelay $0x2  }
0xc3: {  	s31 =	sshll.u32 s1, $0xD;
	s1 =	sshrl.u32 s1, $0x2  }
0xc4: {  	s3 =	sand.u32 $0x4000, s31;
	s1 =	sadd.s32 s1, s30  }
0xc5: {  	s0 =	sor.u32 s3, s0;
	s1 =	sshll.u32 s1, $0x11  }
0xc6: {  	s0 =	sor.u32 s1, s0  }
0xc7: {  	s0 =	sadd.s32 $0x8F2B, s0  }
0xc8: {  	[sflag:s0] =	ssyncadd.remote.s32 $0x1  }
0xc9: {  	_ =	sfence.sel $0xFFFF  }
0xca: {  	[dreg:$0x0] =	wrdreg $0xFFFFFFFF;
	(pc) =	sbr.abs _section_cstart, $3  }
0xcb: {  	[dreg:$0x1] =	wrdreg $0xFFFFFFFF  }
0xcc: {  	_ =	task.clear_ibuf [dreg:s9], $0x2FFFF;
	_ =	strace $0x9FFFFFFF  }
0xcd: {  	(tm) =	ssettm $0x7FFFFFFF  }
tec
execute0_lowered:
.L_overlay_start_1:
0x0: {  	(tag) =	ssettag $0x1  }
0x1: {  	s0 =	rddreg [dreg:$0x0]  }
0x2: {  	s1 =	rddreg [dreg:$0x1]  }
0x3: {  	s2 =	rddreg [dreg:$0x3]  }
0x4: {  	s4 =	rddreg [dreg:$0x4]  }
0x5: {  	s3 =	srdreg.scid;
	s5 =	rddreg [dreg:$0x5]  }
0x6: {  	s12 =	stileid.u32;
	s6 =	simm.s32 $0x0;
	s17 =	simm.s32 $0x2  }
0x7: {  	s28 =	simm.s32 $0x80;
	s29 =	simm.s32 $0xC800;
	s30 =	simm.s32 $0xC780  }
0x8: {  	s31 =	simm.s32 $0x10800;
	s20 =	simm.s32 $0x0;
	s3 =	sand.u32 $0x1, s3  }
0x9: {  	[smem:$0x7FF] =	sst s6;
	s8 =	sadd.s32 $0x14800, s1;
	s22 =	sadd.s32 $0x14E00, s1  }
0xa: {  	s11 =	smul.u32 $0x2080, s12;
	s9 =	sshll.u32 s12, $0x6;
	s19 =	sshll.u32 s12, $0xA  }
0xb: {  	s7 =	sshll.u32 s3, $0x4;
	_ =	strace $0x80000047;
	[dreg:$0x7] =	wrdreg s8  }
0xc: {  	[dreg:$0x8] =	wrdreg s22;
	s23 =	sshll.u32 s3, $0xE;
	s10 =	ssub.s32 $0x2, s3  }
0xd: {  	s13 =	sor.u32 $0x14800, s9;
	s14 =	sadd.s32 s2, s19;
	p0 =	sne.s32 s3, $0x0  }
0xe: {  	s22 =	simm.s32 $0x7680;
	s2 =	simm.s32 $0x40;
	s3 =	simm.s32 $0x14C00  }
0xf: {  	s7 =	sor.u32 s12, s7;
	s24 =	sshrl.u32 s10, $0x1;
	s16 =	sadd.s32 s11, s4  }
0x10: {  	s18 =	sadd.s32 s11, s5;
	s7 =	smul.u32 $0x4E2, s7;
	s8 =	ssub.s32 s10, s24  }
0x11: {  	s10 =	sor.u32 $0x1C02, s9;
	s16 =	sshrl.u32 s16, $0x3;
	s18 =	sshrl.u32 s18, $0x3  }
.Ltmp0:
0x12: {  	s15 =	smax.u32 s8, $0x1;
	s7 =	sadd.s32 s7, s1;
	(pc) =	sbr.rel .LBB2_1-.Ltmp0, $4  }
0x13: {  	s1 =	sadd.s32 s23, s1;
	s25 =	sadd.s32 $0xAA00, s7;
	s12 =	sadd.s32 $0xC00, s7  }
0x14: {  	s26 =	sadd.s32 $0x15400, s1;
	s1 =	sadd.s32 $0x1D400, s1;
	[dreg:$0x9] =	wrdreg s25  }
0x15: {  	v0 =	vimm.f32 $1.000000000e+00;
	v1 =	vimm.s32 $0xFFFFFFFF;
	s23 =	sadd.s32 s19, s26;
	s24 =	sadd.s32 s19, s1;
	s25 =	simm.s32 $0x9F00  }
0x16: {  	v2 =	vlaneseq.u32;
	v3 =	vimm.s32 $0x0;
	v4 =	vimm.s32 $0x400;
	s26 =	simm.s32 $0x1;
	s1 =	simm.s32 $0x14C80;
	s19 =	simm.s32 $0x16C80  }
.LBB2_12:
0x17: {  	[sflag:s17] =	ssyncadd.s32 $0xFFFFF800  }
.LBB2_13:
0x18: {  	[bflag:$0x0] =	sbarrier.arrive $0xFFFF;
	s7 =	simm.s32 @!p0 $0x40;
	s8 =	simm.s32 @!p0 $0x14C80  }
0x19: {  	[tilespmem:s8], [sflag:$0x1] =	stream.indirect.gather @!p0 [hbm4b:s0+s7], $0x80, s13, s7, $0xb8;
	[tilespmem:$0x1B110] =	vst v63  }
0x1a: {  	s7 =	simm.s32 @!p0 $0x1  }
0x1b: {  	_ =	swait.ge @!p0 [sflag:s7], $0x2000  }
0x1c: {  	[sflag:s7] =	ssyncset.done @!p0 $0x0  }
0x1d: {  	[sflag:s7] =	ssyncadd.s32 @!p0 $0xFFFFE000;
	s7 =	simm.s32 @!p0 $0x0  }
0x1e: {  	[hbm4b:s14+s7] =	stream.linear.scatter @!p0 [tilespmem:s8], [sflag:$0x2], $0x2000, $0x38;
	[tilespmem:$0x1B110] =	vst v63  }
0x1f: {  	s7 =	simm.s32 @!p0 $0x2  }
0x20: {  	_ =	swait.ge @!p0 [sflag:s7], $0x2000  }
0x21: {  	[sflag:s7] =	ssyncset.done @!p0 $0x0  }
0x22: {  	[sflag:s7] =	ssyncadd.s32 @!p0 $0xFFFFE000  }
0x23: {  	v5 =	vld [tilespmem:s9+$0x14800];
	_ =	sdelay $0x7  }
0x24: {  	v5 =	vld.idx.msk [tilespmem:v5+s6+$0x0], $0xffff;
	_ =	sdelay $0x4  }
0x25: {  	[tilespmem:$0x14C00] =	vst v5  }
0x26: {  	v5 =	vld [tilespmem:s9+$0x14810];
	_ =	sdelay $0x7  }
0x27: {  	v5 =	vld.idx.msk [tilespmem:v5+s6+$0x0], $0xffff;
	_ =	sdelay $0x4  }
0x28: {  	[tilespmem:$0x14C10] =	vst v5  }
0x29: {  	v5 =	vld [tilespmem:s9+$0x14820];
	_ =	sdelay $0x7  }
0x2a: {  	v5 =	vld.idx.msk [tilespmem:v5+s6+$0x0], $0xffff;
	_ =	sdelay $0x4  }
0x2b: {  	[tilespmem:$0x14C20] =	vst v5  }
0x2c: {  	v5 =	vld [tilespmem:s9+$0x14830];
	_ =	sdelay $0x7  }
0x2d: {  	v5 =	vld.idx.msk [tilespmem:v5+s6+$0x0], $0xffff;
	_ =	sdelay $0x4  }
0x2e: {  	[tilespmem:$0x14C30] =	vst v5  }
0x2f: {  	[tilespmem:s1], [sflag:$0x1] =	stream.indirect.gather [spmem:s4], $0x80, s3, s2, $0xb8;
	[tilespmem:$0x1B110] =	vst v63  }
0x30: {  	_ =	swait.ge [sflag:s26], $0x2000  }
0x31: {  	[sflag:s26] =	ssyncset.done $0x0  }
0x32: {  	[sflag:s26] =	ssyncadd.s32 $0xFFFFE000  }
0x33: {  	[hbm4b:s23+s6] =	stream.linear.scatter [tilespmem:s1], [sflag:$0x2], $0x2000, $0x38;
	[tilespmem:$0x1B110] =	vst v63  }
0x34: {  	_ =	swait.ge [sflag:s17], $0x2000  }
0x35: {  	[sflag:s17] =	ssyncset.done $0x0  }
0x36: {  	[sflag:s17] =	ssyncadd.s32 $0xFFFFE000  }
0x37: {  	[tilespmem:s19], [sflag:$0x1] =	stream.indirect.gather [spmem:s5], $0x10, s3, s2, $0xb8;
	[tilespmem:$0x1B110] =	vst v63  }
0x38: {  	s20 =	sadd.s32 $0x1, s20;
	_ =	swait.ge [sflag:s26], $0x400  }
0x39: {  	p1 =	sne.s32 s20, s15;
	[sflag:s26] =	ssyncset.done $0x0  }
.Ltmp1:
0x3a: {  	[sflag:s26] =	ssyncadd.s32 $0xFFFFFC00;
	(pc) =	sbr.rel @!p1 .LBB2_14-.Ltmp1, $4  }
0x3b: {  	[hbm4b:s24+s6] =	stream.linear.scatter [tilespmem:s19], [sflag:$0x2], $0x2000, $0x38;
	[tilespmem:$0x1B110] =	vst v63  }
0x3c: {  	_ =	swait.ge [sflag:s17], $0x2000  }
0x3d: {  	[sflag:s17] =	ssyncset.done $0x0  }
0x3e: {  	[sflag:s17] =	ssyncadd.s32 $0xFFFFE000  }
.LBB2_1:
0x3f: {  	s7 =	rddreg [dreg:$0x7]  }
0x40: {  	[spmem:s16], [sflag:s10] =	dma.local [hbm:s7], $0x410  }
0x41: {  	_ =	swait.ge [sflag:s17], $0x410  }
0x42: {  	[sflag:s17] =	ssyncset.done $0x0  }
0x43: {  	s21 =	rddreg [dreg:$0x8];
	[sflag:s17] =	ssyncadd.s32 $0xFFFFFBF0  }
0x44: {  	[spmem:s18], [sflag:s10] =	dma.local [hbm:s21], $0x410  }
0x45: {  	_ =	swait.ge [sflag:s17], $0x410  }
0x46: {  	[sflag:s17] =	ssyncset.done $0x0  }
0x47: {  	s8 =	simm.s32 $0x0;
	s7 =	simm.s32 $0x200;
	[sflag:s17] =	ssyncadd.s32 $0xFFFFFBF0  }
.LBB2_2:
0x48: {  	p1 =	sne.s32 s7, $0xFE00;
	[tilespmem:s8+$0x10800] =	vst v0;
	s8 =	smov.u32 s7;
	s7 =	sadd.s32 $0x200, s7  }
.Ltmp2:
0x49: {  	(pc) =	sbr.rel @p1 .LBB2_2-.Ltmp2, $2  }
0x4a: {  	_ =	sdelay $0x2  }
0x4b: {  	s8 =	sshra.s32 s8, $0x2  }
0x4c: {  	[tilespmem:s8+$0x10800] =	vst v0;
	s7 =	simm.s32 $0x0;
	s21 =	rddreg [dreg:$0x2];
	s11 =	simm.s32 $0x14800  }
0x4d: {  	[tilespmem:s11], [sflag:$0x2] =	stream.linear.gather [hbm4b:s21+s7], $0x400, $0x38;
	[tilespmem:$0x1B110] =	vst v63  }
0x4e: {  	_ =	swait.ge [sflag:s17], $0x400  }
0x4f: {  	[sflag:s17] =	ssyncset.done $0x0  }
0x50: {  	s8 =	simm.s32 $0x0;
	[sflag:s17] =	ssyncadd.s32 $0xFFFFFC00  }
.LBB2_4:
0x51: {  	p1 =	sne.s32 s8, $0x9C00  }
.Ltmp3:
0x52: {  	_ = 	snop;
	(pc) =	sbr.rel @p1 .LBB2_4-.Ltmp3, $3  }
0x53: {  	_ =	sdelay $0x1  }
0x54: {  	s21 =	sshra.s32 s8, $0x2  }
0x55: {  	s8 =	sadd.s32 $0x40, s8;
	[tilespmem:s21+$0x0] =	vst v1  }
0x56: {  	s8 =	simm.s32 $0x14800  }
0x57: {  	s21 =	simm.s32 $0x10;
	v5 =	vld [tilespmem:s8+$0x0]  }
.LBB2_6:
0x58: {  	p1 =	sne.s32 s21, $0x3F0;
	_ =	sdelay $0x3  }
.Ltmp4:
0x59: {  	(pc) =	sbr.rel @p1 .LBB2_6-.Ltmp4, $4  }
0x5a: {  	_ = 	snop  }
0x5b: {  	v6 =	vor.u32 s7, v2;
	s7 =	smov.u32 s21  }
0x5c: {  	s8 =	sadd.s32 $0x10, s8;
	[tilespmem:v5+s6+$0x0] =	vst.idx.msk $0xffff, v6  }
0x5d: {  	s21 =	sadd.s32 $0x10, s21;
	v5 =	vld [tilespmem:s8+$0x0]  }
0x5e: {  	_ =	sdelay $0x6  }
0x5f: {  	v6 =	vor.u32 s7, v2  }
0x60: {  	s7 =	simm.s32 $0x0;
	s8 =	rddreg [dreg:$0x9];
	s11 =	simm.s32 $0x2780;
	[tilespmem:v5+s6+$0x0] =	vst.idx.msk $0xffff, v6  }
0x61: {  	[tilespmem:s11], [sflag:$0x2] =	stream.linear.gather [hbm4b:s8+s7], $0x2710, $0x38;
	[tilespmem:$0x1B110] =	vst v63  }
0x62: {  	_ =	swait.ge [sflag:s17], $0x2710  }
0x63: {  	[sflag:s17] =	ssyncset.done $0x0  }
0x64: {  	s11 =	simm.s32 $0x4F00;
	[sflag:s17] =	ssyncadd.s32 $0xFFFFD8F0  }
0x65: {  	[tilespmem:s11], [sflag:$0x2] =	stream.linear.gather [hbm4b:s12+s7], $0x2710, $0x38;
	[tilespmem:$0x1B110] =	vst v63  }
0x66: {  	_ =	swait.ge [sflag:s17], $0x2710  }
0x67: {  	[sflag:s17] =	ssyncset.done $0x0  }
0x68: {  	s21 =	simm.s32 $0x0;
	[sflag:s17] =	ssyncadd.s32 $0xFFFFD8F0  }
0x69: {  	v5 =	vld [tilespmem:s21+$0x4F00];
	_ =	sdelay $0x7  }
0x6a: {  	v5 =	vld.idx.msk [tilespmem:v5+s6+$0x0], $0xffff;
	_ =	sdelay $0x4  }
0x6b: {  	vm0 =	vgt.s32 v5, $0xFFFFFFFF  }
0x6c: {  	v6 =	vsel vm0, $0x1, v3  }
0x6d: {  	(xrf0) =	vadd.scan.msk.s32 $0xffff, v6;
	_ =	sdelay $0x2  }
0x6e: {  	v6 =	vmov s7  }
0x6f: {  	v6 =	vadd.s32 $0xFFFFFFFF, v6  }
0x70: {  	v6 =	vbroadcast v6, $0x0  }
0x71: {  	v7, _, _ =	vpop (xrf0)  }
0x72: {  	v8 =	vld [tilespmem:s21+$0x2780];
	v6 =	vadd.s32 v7, v6;
	(v2sf) =	vpush v7, $0xF;
	_ =	sdelay $0x4  }
0x73: {  	[tilespmem:v6+s22+$0x0] =	vst.idx.msk vm0, v8  }
0x74: {  	s8 =	simm.s32 $0x10;
	s21 =	simm.s32 $0x80;
	[tilespmem:v6+s25+$0x0] =	vst.idx.msk vm0, v5  }
.LBB2_8:
0x75: {  	p1 =	sne.s32 s21, $0x9C00;
	v5 =	vld [tilespmem:s8+$0x4F00];
	_ =	sdelay $0x7  }
0x76: {  	v5 =	vld.idx.msk [tilespmem:v5+s6+$0x0], $0xffff;
	s11 =	spop (v2sf)  }
0x77: {  	s7 =	sadd.s32 s7, s11  }
0x78: {  	v6 =	vmov s7  }
0x79: {  	v6 =	vadd.s32 $0xFFFFFFFF, v6  }
0x7a: {  	v6 =	vbroadcast v6, $0x0;
	_ =	sdelay $0x1  }
0x7b: {  	vm0 =	vgt.s32 v5, $0xFFFFFFFF  }
0x7c: {  	v7 =	vsel vm0, $0x1, v3  }
0x7d: {  	(xrf0) =	vadd.scan.msk.s32 $0xffff, v7;
	_ =	sdelay $0x5  }
0x7e: {  	v7, _, _ =	vpop (xrf0)  }
0x7f: {  	v8 =	vld [tilespmem:s8+$0x2780];
	v6 =	vadd.s32 v7, v6;
	(v2sf) =	vpush v7, $0xF;
	_ =	sdelay $0x1  }
.Ltmp5:
0x80: {  	(pc) =	sbr.rel @p1 .LBB2_8-.Ltmp5, $3  }
0x81: {  	_ =	sdelay $0x1  }
0x82: {  	[tilespmem:v6+s22+$0x0] =	vst.idx.msk vm0, v8  }
0x83: {  	s8 =	sshra.s32 s21, $0x2;
	s21 =	sadd.s32 $0x40, s21;
	[tilespmem:v6+s25+$0x0] =	vst.idx.msk vm0, v5  }
0x84: {  	v5 =	vld [tilespmem:s8+$0x4F00];
	_ =	sdelay $0x7  }
0x85: {  	v5 =	vld.idx.msk [tilespmem:v5+s6+$0x0], $0xffff;
	_ =	sdelay $0x4  }
0x86: {  	vm0 =	vgt.s32 v5, $0xFFFFFFFF  }
0x87: {  	v6 =	vsel vm0, $0x1, v3  }
0x88: {  	(xrf0) =	vadd.scan.msk.s32 $0xffff, v6;
	_ =	sdelay $0x5  }
0x89: {  	v6, _, _ =	vpop (xrf0)  }
0x8a: {  	(v2sf) =	vpush v6, $0xF;
	_ =	sdelay $0x8  }
0x8b: {  	s11 =	spop (v2sf)  }
0x8c: {  	s7 =	sadd.s32 s7, s11  }
0x8d: {  	v7 =	vmov s7  }
0x8e: {  	v7 =	vadd.s32 $0xFFFFFFFF, v7  }
0x8f: {  	v7 =	vbroadcast v7, $0x0;
	_ =	sdelay $0x1  }
0x90: {  	v8 =	vld [tilespmem:s8+$0x2780];
	v6 =	vadd.s32 v6, v7;
	s21 =	spop (v2sf)  }
0x91: {  	s7 =	sadd.s32 s7, s21  }
0x92: {  	v7 =	vadd.s32 s7, v2  }
0x93: {  	s8 =	sadd.s32 $0x10, s7  }
0x94: {  	v9 =	vadd.s32 s8, v2  }
0x95: {  	[tilespmem:v6+s22+$0x0] =	vst.idx.msk vm0, v8;
	s11 =	sadd.s32 $0x20, s7  }
0x96: {  	[tilespmem:v6+s25+$0x0] =	vst.idx.msk vm0, v5;
	s21 =	simm.s32 $0x7680;
	v5 =	vadd.s32 s11, v2  }
0x97: {  	s11 =	sadd.s32 $0x30, s7;
	[tilespmem:v7+s21+$0x0] =	vst.idx.msk $0xffff, v3  }
0x98: {  	v6 =	vadd.s32 s11, v2;
	[tilespmem:v7+s25+$0x0] =	vst.idx.msk $0xffff, v4  }
0x99: {  	s11 =	sadd.s32 $0x40, s7;
	[tilespmem:v9+s21+$0x0] =	vst.idx.msk $0xffff, v3  }
0x9a: {  	v7 =	vadd.s32 s11, v2;
	[tilespmem:v9+s25+$0x0] =	vst.idx.msk $0xffff, v4  }
0x9b: {  	[tilespmem:v5+s21+$0x0] =	vst.idx.msk $0xffff, v3  }
0x9c: {  	[tilespmem:v5+s25+$0x0] =	vst.idx.msk $0xffff, v4  }
0x9d: {  	s11 =	sadd.s32 $0x50, s7;
	[tilespmem:v6+s21+$0x0] =	vst.idx.msk $0xffff, v3  }
0x9e: {  	v5 =	vadd.s32 s11, v2;
	s11 =	sadd.s32 $0x60, s7;
	[tilespmem:v6+s25+$0x0] =	vst.idx.msk $0xffff, v4  }
0x9f: {  	v6 =	vadd.s32 s11, v2;
	s11 =	sadd.s32 $0x70, s7;
	s7 =	sadd.s32 $0x7F, s7;
	[tilespmem:v7+s21+$0x0] =	vst.idx.msk $0xffff, v3  }
0xa0: {  	[tilespmem:v7+s25+$0x0] =	vst.idx.msk $0xffff, v4;
	v7 =	vadd.s32 s11, v2;
	s11 =	sand.u32 $0x7F, s7  }
0xa1: {  	p2 =	slt.s32 s7, $0x1;
	p1 =	sne.s32 s11, $0x0;
	s11 =	sshra.s32 s7, $0x1F  }
0xa2: {  	s8 =	sshrl.u32 s11, $0x19;
	p1 =	por !p2, !p1  }
0xa3: {  	s7 =	sadd.s32 s8, s7;
	p1 =	por !p1, !p1;
	s8 =	simm.s32 $0x1  }
0xa4: {  	[tilespmem:v5+s21+$0x0] =	vst.idx.msk $0xffff, v3;
	s7 =	sshra.s32 s7, $0x7;
	s8 =	simm.s32 @!p1 $0x0  }
0xa5: {  	[tilespmem:v5+s25+$0x0] =	vst.idx.msk $0xffff, v4;
	s8 =	ssub.s32 s7, s8  }
0xa6: {  	[tilespmem:v6+s21+$0x0] =	vst.idx.msk $0xffff, v3;
	p1 =	slt.s32 s8, $0x1  }
.Ltmp6:
0xa7: {  	[tilespmem:v6+s25+$0x0] =	vst.idx.msk $0xffff, v4;
	(pc) =	sbr.rel @p1 .LBB2_13-.Ltmp6, $4  }
0xa8: {  	[tilespmem:v7+s21+$0x0] =	vst.idx.msk $0xffff, v3  }
0xa9: {  	[tilespmem:v7+s25+$0x0] =	vst.idx.msk $0xffff, v4  }
0xaa: {  	[bflag:$0x0] =	sbarrier.arrive $0xFFFF  }
0xab: {  	s7 =	simm.s32 $0x9F40  }
0xac: {  	v5 =	vld [tilespmem:s7+$0xFFFFFFC0];
	_ =	sdelay $0x4  }
0xad: {  	[tilespmem:$0xC780] =	vst v5  }
0xae: {  	v5 =	vld [tilespmem:s7+$0xFFFFFFD0];
	_ =	sdelay $0x4  }
0xaf: {  	[tilespmem:$0xC790] =	vst v5  }
0xb0: {  	v5 =	vld [tilespmem:s7+$0xFFFFFFE0];
	_ =	sdelay $0x4  }
0xb1: {  	[tilespmem:$0xC7A0] =	vst v5  }
0xb2: {  	v5 =	vld [tilespmem:s7+$0xFFFFFFF0];
	_ =	sdelay $0x4  }
0xb3: {  	[tilespmem:$0xC7B0] =	vst v5  }
0xb4: {  	v5 =	vld [tilespmem:s7+$0x0];
	_ =	sdelay $0x4  }
0xb5: {  	[tilespmem:$0xC7C0] =	vst v5  }
0xb6: {  	v5 =	vld [tilespmem:s7+$0x10];
	_ =	sdelay $0x4  }
0xb7: {  	[tilespmem:$0xC7D0] =	vst v5  }
0xb8: {  	v5 =	vld [tilespmem:s7+$0x20];
	_ =	sdelay $0x4  }
0xb9: {  	[tilespmem:$0xC7E0] =	vst v5  }
0xba: {  	v5 =	vld [tilespmem:s7+$0x30];
	_ =	sdelay $0x4  }
0xbb: {  	[tilespmem:$0xC7F0] =	vst v5  }
0xbc: {  	[tilespmem:s29], [sflag:$0x1] =	stream.indirect.gather [hbm4b:s0+s28], $0x80, s21, s28, $0xb8;
	[tilespmem:$0x1B110] =	vst v63  }
0xbd: {  	_ =	swait.ge [sflag:s26], $0x4000  }
0xbe: {  	[sflag:s26] =	ssyncset.done $0x0  }
0xbf: {  	[sflag:s26] =	ssyncadd.s32 $0xFFFFC000  }
0xc0: {  	[spmem:s4] =	stream.indirect.scatter.add.f32 [tilespmem:s29], [sflag:$0x2], $0x80, s30, s28, $0xb8;
	[tilespmem:$0x1B110] =	vst v63  }
0xc1: {  	p1 =	sne.s32 s8, $0x1;
	_ =	swait.ge [sflag:s17], $0x4000  }
.Ltmp7:
0xc2: {  	[sflag:s17] =	ssyncset.done $0x0;
	(pc) =	sbr.rel @!p1 .LBB2_12-.Ltmp7, $4  }
0xc3: {  	[sflag:s17] =	ssyncadd.s32 $0xFFFFC000  }
0xc4: {  	[spmem:s5] =	stream.indirect.scatter.add.f32 [tilespmem:s31], [sflag:$0x2], $0x10, s30, s28, $0xb8;
	[tilespmem:$0x1B110] =	vst v63  }
0xc5: {  	_ =	swait.ge [sflag:s17], $0x800  }
0xc6: {  	s8 =	sadd.s32 $0xFFFFFFFF, s8;
	[sflag:s17] =	ssyncset.done $0x0  }
.LBB2_11:
0xc7: {  	[sflag:s17] =	ssyncadd.s32 $0xFFFFF800;
	s21 =	sadd.s32 $0x80, s21;
	s7 =	sadd.s32 $0x80, s7  }
0xc8: {  	p1 =	sne.s32 s8, $0x1;
	s8 =	sadd.s32 $0xFFFFFFFF, s8;
	v5 =	vld [tilespmem:s7+$0xFFFFFFC0];
	_ =	sdelay $0x4  }
0xc9: {  	[tilespmem:$0xC780] =	vst v5  }
0xca: {  	v5 =	vld [tilespmem:s7+$0xFFFFFFD0];
	_ =	sdelay $0x4  }
0xcb: {  	[tilespmem:$0xC790] =	vst v5  }
0xcc: {  	v5 =	vld [tilespmem:s7+$0xFFFFFFE0];
	_ =	sdelay $0x4  }
0xcd: {  	[tilespmem:$0xC7A0] =	vst v5  }
0xce: {  	v5 =	vld [tilespmem:s7+$0xFFFFFFF0];
	_ =	sdelay $0x4  }
0xcf: {  	[tilespmem:$0xC7B0] =	vst v5  }
0xd0: {  	v5 =	vld [tilespmem:s7+$0x0];
	_ =	sdelay $0x4  }
0xd1: {  	[tilespmem:$0xC7C0] =	vst v5  }
0xd2: {  	v5 =	vld [tilespmem:s7+$0x10];
	_ =	sdelay $0x4  }
0xd3: {  	[tilespmem:$0xC7D0] =	vst v5  }
0xd4: {  	v5 =	vld [tilespmem:s7+$0x20];
	_ =	sdelay $0x4  }
0xd5: {  	[tilespmem:$0xC7E0] =	vst v5  }
0xd6: {  	v5 =	vld [tilespmem:s7+$0x30];
	_ =	sdelay $0x4  }
0xd7: {  	[tilespmem:$0xC7F0] =	vst v5  }
0xd8: {  	[tilespmem:s29], [sflag:$0x1] =	stream.indirect.gather [hbm4b:s0+s28], $0x80, s21, s28, $0xb8;
	[tilespmem:$0x1B110] =	vst v63  }
0xd9: {  	_ =	swait.ge [sflag:s26], $0x4000  }
0xda: {  	[sflag:s26] =	ssyncset.done $0x0  }
0xdb: {  	[sflag:s26] =	ssyncadd.s32 $0xFFFFC000  }
0xdc: {  	[spmem:s4] =	stream.indirect.scatter.add.f32 [tilespmem:s29], [sflag:$0x2], $0x80, s30, s28, $0xb8;
	[tilespmem:$0x1B110] =	vst v63  }
0xdd: {  	_ =	swait.ge [sflag:s17], $0x4000  }
.Ltmp8:
0xde: {  	[sflag:s17] =	ssyncset.done $0x0;
	(pc) =	sbr.rel @p1 .LBB2_11-.Ltmp8, $4  }
0xdf: {  	[sflag:s17] =	ssyncadd.s32 $0xFFFFC000  }
0xe0: {  	[spmem:s5] =	stream.indirect.scatter.add.f32 [tilespmem:s31], [sflag:$0x2], $0x10, s30, s28, $0xb8;
	[tilespmem:$0x1B110] =	vst v63  }
0xe1: {  	_ =	swait.ge [sflag:s17], $0x800  }
0xe2: {  	[sflag:s17] =	ssyncset.done $0x0  }
.Ltmp9:
0xe3: {  	_ = 	snop;
	(pc) =	sbr.rel .LBB2_12-.Ltmp9, $1  }
0xe4: {  	_ =	sdelay $0x3  }
.LBB2_14:
0xe5: {  	_ =	sfence.sel $0x180000  }
0xe6: {  	[bflag:$0x0] =	sbarrier.arrive $0xFFFF  }
0xe7: {  	_ =	strace $0x90000047  }
0xe8: {  	s0 =	stileid.u32;
	[bflag:$0x2] =	sbarrier.arrive $0xFFFF  }
0xe9: {  	p0 =	sne.s32 s0, $0x0;
	s0 =	rddreg [dreg:$0x6]  }
0xea: {  	s0 =	sadd.s32 @!p0 $0x100000, s0  }
0xeb: {  	[sflag:s0] =	ssyncadd.tile.s32 @!p0 $0x1;
	_ =	shalt  }
.Lfunc_end2:
_tile_overlayer_lowered:
.L_overlay_start_2:
0xec: {  	(tag) =	ssettag $0x2  }
0xed: {  	s0 =	rddreg [dreg:$0x0];
	s2 =	stileid.u32  }
0xee: {  	s1 =	rddreg [dreg:$0x1];
	p0 =	sne.s32 s2, $0x0  }
0xef: {  	s3 =	rddreg [dreg:$0x2];
	[bflag:$0x3] =	sbarrier.arrive $0xFFFF;
	s2 =	simm.s32 @!p0 $0x1C02  }
0xf0: {  	[timem:s3], [sflag:s2] =	dma.local @!p0 [hbm:s0], s1  }
0xf1: {  	s0 =	simm.s32 @!p0 $0x2  }
0xf2: {  	_ =	swait.ge @!p0 [sflag:s0], s1  }
0xf3: {  	s1 =	ssub.s32 @!p0 $0x0, s1;
	[sflag:s0] =	ssyncset.done @!p0 $0x0  }
0xf4: {  	[sflag:s0] =	ssyncadd.s32 @!p0 s1  }
0xf5: {  	[bflag:$0x3] =	sbarrier.arrive $0xFFFF  }
0xf6: {  	_ =	shalt  }

</sc_bundles>
